<compile_context>
chip_gen: v7x
topology: tpu7x:2x2x1
jax: 0.10.2.dev20260603
libtpu: 0.0.44.dev20260713+nightly
codegen_flags: <defaults>
</compile_context>

<pallas_src>
import functools

import jax
import jax.numpy as jnp
from jax import lax
from jax.experimental import pallas as pl
from jax.experimental.pallas import tpu as pltpu
from jax.experimental.pallas import tpu_sc as plsc

B = 16384
C = 1000
NC = 2
NS = 16
NW = NC * NS
ROWS_PER_W = B // NW
RBLK = 8
NBLK = ROWS_PER_W // RBLK
BLK_ELEMS = RBLK * C
BUF = BLK_ELEMS + 16
NFULL = C // 16
TAIL = C - NFULL * 16


def _body(x_hbm, mask_hbm, constr_hbm, out_hbm,
          xa, xb, ma, mb, ca, cb, out_v,
          sxa, sxb, sma, smb, sca, scb):
    wid = lax.axis_index("s") * NC + lax.axis_index("c")
    base_elem = wid * (ROWS_PER_W * C)

    lanes = lax.iota(jnp.int32, 16)
    tail_mask = lanes < TAIL

    bufs = ((xa, ma, ca), (xb, mb, cb))
    sems = ((sxa, sma, sca), (sxb, smb, scb))
    hbms = (x_hbm, mask_hbm, constr_hbm)

    def start(blk, slot):
        off = base_elem + blk * BLK_ELEMS
        for hbm, buf, sem in zip(hbms, bufs[slot], sems[slot]):
            pltpu.async_copy(hbm.at[pl.ds(off, BLK_ELEMS)],
                             buf.at[pl.ds(0, BLK_ELEMS)], sem)

    def wait(blk, slot):
        off = base_elem + blk * BLK_ELEMS
        for hbm, buf, sem in zip(hbms, bufs[slot], sems[slot]):
            pltpu.make_async_copy(hbm.at[pl.ds(off, BLK_ELEMS)],
                                  buf.at[pl.ds(0, BLK_ELEMS)], sem).wait()

    def compute(blk, slot):
        xv, mv, cv = bufs[slot]
        for r in range(RBLK):
            rbase = r * C

            def chunk(c, acc):
                num, den = acc
                idx = lanes + (rbase + c * 16)
                xs = plsc.load_gather(xv, [idx])
                mk = plsc.load_gather(mv, [idx])
                g = plsc.load_gather(cv, [mk + rbase])
                e = jnp.exp(xs)
                return (num + e * g, den + e)

            zeros = jnp.zeros((16,), jnp.float32)
            num, den = lax.fori_loop(0, NFULL, chunk, (zeros, zeros))

            idx = lanes + (rbase + NFULL * 16)
            xs = plsc.load_gather(xv, [idx])
            mk = plsc.load_gather(mv, [idx])
            mk = jnp.where(tail_mask, mk, 0)
            g = plsc.load_gather(cv, [mk + rbase])
            e = jnp.where(tail_mask, jnp.exp(xs), 0.0)
            num = num + e * g
            den = den + e

            num_bc = jnp.full((16,), jnp.sum(num), jnp.float32)
            den_bc = jnp.full((16,), jnp.sum(den), jnp.float32)
            res_v = jnp.clip(num_bc / den_bc, 0.0, 1.0)
            row = blk * RBLK + r
            plsc.store_scatter(out_v,
                               [jnp.full((16,), row, jnp.int32)],
                               res_v,
                               mask=lanes == 0)

    start(0, 0)
    start(1, 1)

    def blkpair(i, carry):
        b0 = i * 2
        wait(b0, 0)
        compute(b0, 0)

        @pl.when(b0 + 2 < NBLK)
        def _():
            start(b0 + 2, 0)

        b1 = b0 + 1
        wait(b1, 1)
        compute(b1, 1)

        @pl.when(b1 + 2 < NBLK)
        def _():
            start(b1 + 2, 1)

        return carry

    lax.fori_loop(0, NBLK // 2, blkpair, 0)

    pltpu.sync_copy(out_v, out_hbm.at[pl.ds(wid * ROWS_PER_W, ROWS_PER_W)])


_rel_in_set = functools.partial(
    pl.kernel,
    out_type=jax.ShapeDtypeStruct((B,), jnp.float32),
    mesh=plsc.VectorSubcoreMesh(core_axis_name="c", subcore_axis_name="s"),
    scratch_types=[
        pltpu.VMEM((BUF,), jnp.float32),
        pltpu.VMEM((BUF,), jnp.float32),
        pltpu.VMEM((BUF,), jnp.int32),
        pltpu.VMEM((BUF,), jnp.int32),
        pltpu.VMEM((BUF,), jnp.float32),
        pltpu.VMEM((BUF,), jnp.float32),
        pltpu.VMEM((ROWS_PER_W,), jnp.float32),
        pltpu.SemaphoreType.DMA,
        pltpu.SemaphoreType.DMA,
        pltpu.SemaphoreType.DMA,
        pltpu.SemaphoreType.DMA,
        pltpu.SemaphoreType.DMA,
        pltpu.SemaphoreType.DMA,
    ],
    compiler_params=pltpu.CompilerParams(
        use_tc_tiling_on_sc=False,
        needs_layout_passes=False,
    ),
)(_body)


def kernel(x, mask, constr):
    return _rel_in_set(x.reshape(-1), mask.reshape(-1), constr.reshape(-1))

# --- scband reference (transcript-rebuilt; emitter-appended) ---
"""Pipeline reference for scband-rel-in-set-l-81174881894855 (READ-ONLY COPY).

The authoritative reference and input builder live on the scoring server;
editing this copy changes nothing except your own understanding.
"""

import jax, jax.numpy as jnp
import numpy as np

B = 16384
C = 1000

def setup_inputs(seed: int = 0) -> dict:
    key = jax.random.key(seed)
    k1, k2, k3 = jax.random.split(key, 3)
    x = jax.random.normal(k1, (B, C), dtype=jnp.float32)
    mask = jax.random.randint(k2, (B, C), 0, C, dtype=jnp.int32)
    constr = jax.random.uniform(k3, (B, C), dtype=jnp.float32)
    return {"x": x, "mask": mask, "constr": constr}

def reference(x, mask, constr):
    # use_logit=False: logits = x
    probs = jax.nn.softmax(x, axis=1)
    # per-row: probs[i] * constr[i][mask[i]] summed -> vectorized gather along dim 1
    gathered = jnp.take_along_axis(constr, mask, axis=1)
    out = jnp.sum(probs * gathered, axis=1)
    out = jnp.clip(out, 0.0, 1.0)
    return out

if __name__ == "__main__":
    import jax
    _d = setup_inputs()
    print(jax.jit(kernel)(*tuple(_d.values())))

</pallas_src>

<mosaic_0001>
#map = affine_map<(d0, d1) -> (0)>
module attributes {stable_mosaic.version = 14 : i64} {
  func.func @_body(%arg0: i32, %arg1: i32, %arg2: memref<16384000xf32, #tpu.memory_space<hbm>>, %arg3: memref<16384000xi32, #tpu.memory_space<hbm>>, %arg4: memref<16384000xf32, #tpu.memory_space<hbm>>, %arg5: memref<16384xf32, #tpu.memory_space<hbm>>, %arg6: memref<8016xf32, #tpu.memory_space<vmem>>, %arg7: memref<8016xf32, #tpu.memory_space<vmem>>, %arg8: memref<8016xi32, #tpu.memory_space<vmem>>, %arg9: memref<8016xi32, #tpu.memory_space<vmem>>, %arg10: memref<8016xf32, #tpu.memory_space<vmem>>, %arg11: memref<8016xf32, #tpu.memory_space<vmem>>, %arg12: memref<512xf32, #tpu.memory_space<vmem>>, %arg13: memref<!tpu.dma_semaphore, #tpu.memory_space<semaphore_mem>>, %arg14: memref<!tpu.dma_semaphore, #tpu.memory_space<semaphore_mem>>, %arg15: memref<!tpu.dma_semaphore, #tpu.memory_space<semaphore_mem>>, %arg16: memref<!tpu.dma_semaphore, #tpu.memory_space<semaphore_mem>>, %arg17: memref<!tpu.dma_semaphore, #tpu.memory_space<semaphore_mem>>, %arg18: memref<!tpu.dma_semaphore, #tpu.memory_space<semaphore_mem>>) attributes {dimension_semantics = [#tpu.dimension_semantics<core_parallel>, #tpu.dimension_semantics<subcore_parallel>], iteration_bounds = array<i64: 2, 16>, scalar_prefetch = 0 : i64, scratch_operands = 13 : i64, tpu.core_type = #tpu.core_type<sc_vector_subcore>, window_params = [{transform_indices = #map}, {transform_indices = #map}, {transform_indices = #map}, {transform_indices = #map}]} {
    %mul3A = arith.constant 2 : i32
    %mul3A_0 = arith.muli %arg1, %mul3A : i32
    %add3A = arith.addi %mul3A_0, %arg0 : i32
    %mul3A_1 = arith.constant 512000 : i32
    %mul3A_2 = arith.muli %add3A, %mul3A_1 : i32
    %iota3A = tpu.iota {dimensions = array<i32: 0>} : vector<16xi32>
    %lt3A = arith.constant 8 : i32
    %lt3A_3 = vector.broadcast %lt3A : i32 to vector<16xi32>
    %lt3A_4 = arith.cmpi slt, %iota3A, %lt3A_3 : vector<16xi32>
    %add3A_5 = arith.constant 0 : i32
    %add3A_6 = arith.addi %mul3A_2, %add3A_5 : i32
    %dma_start3A = arith.constant 0 : i32
    %dma_start3A_7 = tpu.memref_slice %arg6[%dma_start3A] : memref<8016xf32, #tpu.memory_space<vmem>> -> memref<8000xf32, #tpu.memory_space<vmem>>
    %dma_start3A_8 = tpu.memref_slice %arg2[%add3A_6] : memref<16384000xf32, #tpu.memory_space<hbm>> -> memref<8000xf32, #tpu.memory_space<hbm>>
    %dma_start3A_9 = arith.constant 0 : i32
    %dma_start3A_10 = tpu.memref_slice %arg6[%dma_start3A_9] : memref<8016xf32, #tpu.memory_space<vmem>> -> memref<8000xf32, #tpu.memory_space<vmem>>
    %dma_start3A_11 = tpu.memref_slice %arg2[%add3A_6] : memref<16384000xf32, #tpu.memory_space<hbm>> -> memref<8000xf32, #tpu.memory_space<hbm>>
    tpu.enqueue_dma source(%dma_start3A_11 : memref<8000xf32, #tpu.memory_space<hbm>>) target(%dma_start3A_10 : memref<8000xf32, #tpu.memory_space<vmem>>) target_semaphore(%arg13 : memref<!tpu.dma_semaphore, #tpu.memory_space<semaphore_mem>>)
    %dma_start3A_12 = arith.constant 0 : i32
    %dma_start3A_13 = tpu.memref_slice %arg8[%dma_start3A_12] : memref<8016xi32, #tpu.memory_space<vmem>> -> memref<8000xi32, #tpu.memory_space<vmem>>
    %dma_start3A_14 = tpu.memref_slice %arg3[%add3A_6] : memref<16384000xi32, #tpu.memory_space<hbm>> -> memref<8000xi32, #tpu.memory_space<hbm>>
    %dma_start3A_15 = arith.constant 0 : i32
    %dma_start3A_16 = tpu.memref_slice %arg8[%dma_start3A_15] : memref<8016xi32, #tpu.memory_space<vmem>> -> memref<8000xi32, #tpu.memory_space<vmem>>
    %dma_start3A_17 = tpu.memref_slice %arg3[%add3A_6] : memref<16384000xi32, #tpu.memory_space<hbm>> -> memref<8000xi32, #tpu.memory_space<hbm>>
    tpu.enqueue_dma source(%dma_start3A_17 : memref<8000xi32, #tpu.memory_space<hbm>>) target(%dma_start3A_16 : memref<8000xi32, #tpu.memory_space<vmem>>) target_semaphore(%arg15 : memref<!tpu.dma_semaphore, #tpu.memory_space<semaphore_mem>>)
    %dma_start3A_18 = arith.constant 0 : i32
    %dma_start3A_19 = tpu.memref_slice %arg10[%dma_start3A_18] : memref<8016xf32, #tpu.memory_space<vmem>> -> memref<8000xf32, #tpu.memory_space<vmem>>
    %dma_start3A_20 = tpu.memref_slice %arg4[%add3A_6] : memref<16384000xf32, #tpu.memory_space<hbm>> -> memref<8000xf32, #tpu.memory_space<hbm>>
    %dma_start3A_21 = arith.constant 0 : i32
    %dma_start3A_22 = tpu.memref_slice %arg10[%dma_start3A_21] : memref<8016xf32, #tpu.memory_space<vmem>> -> memref<8000xf32, #tpu.memory_space<vmem>>
    %dma_start3A_23 = tpu.memref_slice %arg4[%add3A_6] : memref<16384000xf32, #tpu.memory_space<hbm>> -> memref<8000xf32, #tpu.memory_space<hbm>>
    tpu.enqueue_dma source(%dma_start3A_23 : memref<8000xf32, #tpu.memory_space<hbm>>) target(%dma_start3A_22 : memref<8000xf32, #tpu.memory_space<vmem>>) target_semaphore(%arg17 : memref<!tpu.dma_semaphore, #tpu.memory_space<semaphore_mem>>)
    %add3A_24 = arith.constant 8000 : i32
    %add3A_25 = arith.addi %mul3A_2, %add3A_24 : i32
    %dma_start3A_26 = arith.constant 0 : i32
    %dma_start3A_27 = tpu.memref_slice %arg7[%dma_start3A_26] : memref<8016xf32, #tpu.memory_space<vmem>> -> memref<8000xf32, #tpu.memory_space<vmem>>
    %dma_start3A_28 = tpu.memref_slice %arg2[%add3A_25] : memref<16384000xf32, #tpu.memory_space<hbm>> -> memref<8000xf32, #tpu.memory_space<hbm>>
    %dma_start3A_29 = arith.constant 0 : i32
    %dma_start3A_30 = tpu.memref_slice %arg7[%dma_start3A_29] : memref<8016xf32, #tpu.memory_space<vmem>> -> memref<8000xf32, #tpu.memory_space<vmem>>
    %dma_start3A_31 = tpu.memref_slice %arg2[%add3A_25] : memref<16384000xf32, #tpu.memory_space<hbm>> -> memref<8000xf32, #tpu.memory_space<hbm>>
    tpu.enqueue_dma source(%dma_start3A_31 : memref<8000xf32, #tpu.memory_space<hbm>>) target(%dma_start3A_30 : memref<8000xf32, #tpu.memory_space<vmem>>) target_semaphore(%arg14 : memref<!tpu.dma_semaphore, #tpu.memory_space<semaphore_mem>>)
    %dma_start3A_32 = arith.constant 0 : i32
    %dma_start3A_33 = tpu.memref_slice %arg9[%dma_start3A_32] : memref<8016xi32, #tpu.memory_space<vmem>> -> memref<8000xi32, #tpu.memory_space<vmem>>
    %dma_start3A_34 = tpu.memref_slice %arg3[%add3A_25] : memref<16384000xi32, #tpu.memory_space<hbm>> -> memref<8000xi32, #tpu.memory_space<hbm>>
    %dma_start3A_35 = arith.constant 0 : i32
    %dma_start3A_36 = tpu.memref_slice %arg9[%dma_start3A_35] : memref<8016xi32, #tpu.memory_space<vmem>> -> memref<8000xi32, #tpu.memory_space<vmem>>
    %dma_start3A_37 = tpu.memref_slice %arg3[%add3A_25] : memref<16384000xi32, #tpu.memory_space<hbm>> -> memref<8000xi32, #tpu.memory_space<hbm>>
    tpu.enqueue_dma source(%dma_start3A_37 : memref<8000xi32, #tpu.memory_space<hbm>>) target(%dma_start3A_36 : memref<8000xi32, #tpu.memory_space<vmem>>) target_semaphore(%arg16 : memref<!tpu.dma_semaphore, #tpu.memory_space<semaphore_mem>>)
    %dma_start3A_38 = arith.constant 0 : i32
    %dma_start3A_39 = tpu.memref_slice %arg11[%dma_start3A_38] : memref<8016xf32, #tpu.memory_space<vmem>> -> memref<8000xf32, #tpu.memory_space<vmem>>
    %dma_start3A_40 = tpu.memref_slice %arg4[%add3A_25] : memref<16384000xf32, #tpu.memory_space<hbm>> -> memref<8000xf32, #tpu.memory_space<hbm>>
    %dma_start3A_41 = arith.constant 0 : i32
    %dma_start3A_42 = tpu.memref_slice %arg11[%dma_start3A_41] : memref<8016xf32, #tpu.memory_space<vmem>> -> memref<8000xf32, #tpu.memory_space<vmem>>
    %dma_start3A_43 = tpu.memref_slice %arg4[%add3A_25] : memref<16384000xf32, #tpu.memory_space<hbm>> -> memref<8000xf32, #tpu.memory_space<hbm>>
    tpu.enqueue_dma source(%dma_start3A_43 : memref<8000xf32, #tpu.memory_space<hbm>>) target(%dma_start3A_42 : memref<8000xf32, #tpu.memory_space<vmem>>) target_semaphore(%arg18 : memref<!tpu.dma_semaphore, #tpu.memory_space<semaphore_mem>>)
    %scan3A = arith.constant 0 : i32
    %scan3A_44 = arith.constant 0 : i32
    %scan3A_45 = arith.constant 32 : i32
    %scan3A_46 = arith.addi %scan3A_44, %scan3A_45 : i32
    %scan3A_47 = arith.constant 1 : i32
    scf.for %scan3A_51 = %scan3A_44 to %scan3A_46 step %scan3A_47  : i32 {
      %mul3A_52 = arith.constant 2 : i32
      %mul3A_53 = arith.muli %scan3A_51, %mul3A_52 : i32
      %mul3A_54 = arith.constant 8000 : i32
      %mul3A_55 = arith.muli %mul3A_53, %mul3A_54 : i32
      %add3A_56 = arith.addi %mul3A_2, %mul3A_55 : i32
      %dma_wait3A = arith.constant 0 : i32
      %dma_wait3A_57 = tpu.memref_slice %arg6[%dma_wait3A] : memref<8016xf32, #tpu.memory_space<vmem>> -> memref<8000xf32, #tpu.memory_space<vmem>>
      %dma_wait3A_58 = tpu.memref_slice %arg2[%add3A_56] : memref<16384000xf32, #tpu.memory_space<hbm>> -> memref<8000xf32, #tpu.memory_space<hbm>>
      %dma_wait3A_59 = arith.constant 0 : i32
      %dma_wait3A_60 = tpu.memref_slice %arg6[%dma_wait3A_59] : memref<8016xf32, #tpu.memory_space<vmem>> -> memref<8000xf32, #tpu.memory_space<vmem>>
      %dma_wait3A_61 = tpu.memref_slice %arg2[%add3A_56] : memref<16384000xf32, #tpu.memory_space<hbm>> -> memref<8000xf32, #tpu.memory_space<hbm>>
      tpu.wait_dma2 semaphore(%arg13 : memref<!tpu.dma_semaphore, #tpu.memory_space<semaphore_mem>>) src(%dma_wait3A_61 : memref<8000xf32, #tpu.memory_space<hbm>>) dst(%dma_wait3A_60 : memref<8000xf32, #tpu.memory_space<vmem>>)
      %dma_wait3A_62 = arith.constant 0 : i32
      %dma_wait3A_63 = tpu.memref_slice %arg8[%dma_wait3A_62] : memref<8016xi32, #tpu.memory_space<vmem>> -> memref<8000xi32, #tpu.memory_space<vmem>>
      %dma_wait3A_64 = tpu.memref_slice %arg3[%add3A_56] : memref<16384000xi32, #tpu.memory_space<hbm>> -> memref<8000xi32, #tpu.memory_space<hbm>>
      %dma_wait3A_65 = arith.constant 0 : i32
      %dma_wait3A_66 = tpu.memref_slice %arg8[%dma_wait3A_65] : memref<8016xi32, #tpu.memory_space<vmem>> -> memref<8000xi32, #tpu.memory_space<vmem>>
      %dma_wait3A_67 = tpu.memref_slice %arg3[%add3A_56] : memref<16384000xi32, #tpu.memory_space<hbm>> -> memref<8000xi32, #tpu.memory_space<hbm>>
      tpu.wait_dma2 semaphore(%arg15 : memref<!tpu.dma_semaphore, #tpu.memory_space<semaphore_mem>>) src(%dma_wait3A_67 : memref<8000xi32, #tpu.memory_space<hbm>>) dst(%dma_wait3A_66 : memref<8000xi32, #tpu.memory_space<vmem>>)
      %dma_wait3A_68 = arith.constant 0 : i32
      %dma_wait3A_69 = tpu.memref_slice %arg10[%dma_wait3A_68] : memref<8016xf32, #tpu.memory_space<vmem>> -> memref<8000xf32, #tpu.memory_space<vmem>>
      %dma_wait3A_70 = tpu.memref_slice %arg4[%add3A_56] : memref<16384000xf32, #tpu.memory_space<hbm>> -> memref<8000xf32, #tpu.memory_space<hbm>>
      %dma_wait3A_71 = arith.constant 0 : i32
      %dma_wait3A_72 = tpu.memref_slice %arg10[%dma_wait3A_71] : memref<8016xf32, #tpu.memory_space<vmem>> -> memref<8000xf32, #tpu.memory_space<vmem>>
      %dma_wait3A_73 = tpu.memref_slice %arg4[%add3A_56] : memref<16384000xf32, #tpu.memory_space<hbm>> -> memref<8000xf32, #tpu.memory_space<hbm>>
      tpu.wait_dma2 semaphore(%arg17 : memref<!tpu.dma_semaphore, #tpu.memory_space<semaphore_mem>>) src(%dma_wait3A_73 : memref<8000xf32, #tpu.memory_space<hbm>>) dst(%dma_wait3A_72 : memref<8000xf32, #tpu.memory_space<vmem>>)
      %broadcast_in_dim3A = arith.constant 0.000000e+00 : f32
      %broadcast_in_dim3A_74 = vector.broadcast %broadcast_in_dim3A : f32 to vector<16xf32>
      %scan3A_75 = arith.constant 0 : i32
      %scan3A_76 = arith.constant 62 : i32
      %scan3A_77 = arith.addi %scan3A_75, %scan3A_76 : i32
      %scan3A_78 = arith.constant 1 : i32
      %scan3A_79:2 = scf.for %scan3A_931 = %scan3A_75 to %scan3A_77 step %scan3A_78 iter_args(%scan3A_932 = %broadcast_in_dim3A_74, %scan3A_933 = %broadcast_in_dim3A_74) -> (vector<16xf32>, vector<16xf32>)  : i32 {
        %mul3A_934 = arith.constant 16 : i32
        %mul3A_935 = arith.muli %scan3A_931, %mul3A_934 : i32
        %add3A_936 = arith.constant 0 : i32
        %add3A_937 = arith.addi %add3A_936, %mul3A_935 : i32
        %add3A_938 = vector.broadcast %add3A_937 : i32 to vector<16xi32>
        %add3A_939 = arith.addi %iota3A, %add3A_938 : vector<16xi32>
        %gather3A_940 = tpu.vector_load_idx %arg6[%add3A_939] : memref<8016xf32, #tpu.memory_space<vmem>>[vector<16xi32>], vector<16xf32>,
        %gather3A_941 = tpu.vector_load_idx %arg8[%add3A_939] : memref<8016xi32, #tpu.memory_space<vmem>>[vector<16xi32>], vector<16xi32>,
        %add3A_942 = arith.constant 0 : i32
        %add3A_943 = vector.broadcast %add3A_942 : i32 to vector<16xi32>
        %add3A_944 = arith.addi %gather3A_941, %add3A_943 : vector<16xi32>
        %gather3A_945 = tpu.vector_load_idx %arg10[%add3A_944] : memref<8016xf32, #tpu.memory_space<vmem>>[vector<16xi32>], vector<16xf32>,
        %exp3A_946 = math.exp %gather3A_940 : vector<16xf32>
        %mul3A_947 = arith.mulf %exp3A_946, %gather3A_945 : vector<16xf32>
        %add3A_948 = arith.addf %scan3A_932, %mul3A_947 : vector<16xf32>
        %add3A_949 = arith.addf %scan3A_933, %exp3A_946 : vector<16xf32>
        scf.yield %add3A_948, %add3A_949 : vector<16xf32>, vector<16xf32>
      }
      %scan3A_80 = arith.constant 62 : i32
      %add3A_81 = arith.constant 992 : i32
      %add3A_82 = vector.broadcast %add3A_81 : i32 to vector<16xi32>
      %add3A_83 = arith.addi %iota3A, %add3A_82 : vector<16xi32>
      %gather3A = tpu.vector_load_idx %arg6[%add3A_83] : memref<8016xf32, #tpu.memory_space<vmem>>[vector<16xi32>], vector<16xf32>,
      %gather3A_84 = tpu.vector_load_idx %arg8[%add3A_83] : memref<8016xi32, #tpu.memory_space<vmem>>[vector<16xi32>], vector<16xi32>,
      %jit3A = arith.constant 0 : i32
      %broadcast_in_dim3A_85 = vector.broadcast %jit3A : i32 to vector<16xi32>
      %select_n3A = arith.select %lt3A_4, %gather3A_84, %broadcast_in_dim3A_85 : vector<16xi1>, vector<16xi32>
      %add3A_86 = arith.constant 0 : i32
      %add3A_87 = vector.broadcast %add3A_86 : i32 to vector<16xi32>
      %add3A_88 = arith.addi %select_n3A, %add3A_87 : vector<16xi32>
      %gather3A_89 = tpu.vector_load_idx %arg10[%add3A_88] : memref<8016xf32, #tpu.memory_space<vmem>>[vector<16xi32>], vector<16xf32>,
      %exp3A = math.exp %gather3A : vector<16xf32>
      %jit3A_90 = arith.constant 0.000000e+00 : f32
      %broadcast_in_dim3A_91 = vector.broadcast %jit3A_90 : f32 to vector<16xf32>
      %select_n3A_92 = arith.select %lt3A_4, %exp3A, %broadcast_in_dim3A_91 : vector<16xi1>, vector<16xf32>
      %mul3A_93 = arith.mulf %select_n3A_92, %gather3A_89 : vector<16xf32>
      %add3A_94 = arith.addf %scan3A_79#0, %mul3A_93 : vector<16xf32>
      %add3A_95 = arith.addf %scan3A_79#1, %select_n3A_92 : vector<16xf32>
      %reduce_sum3A = arith.constant true
      %reduce_sum3A_96 = vector.broadcast %reduce_sum3A : i1 to vector<16xi1>
      %reduce_sum3A_97 = tpu.scan <sum>, %add3A_94 masked %reduce_sum3A_96 : vector<16xf32>, vector<16xi1> -> vector<16xf32>
      %reduce_sum3A_98 = vector.extract %reduce_sum3A_97[15] : f32 from vector<16xf32>
      %broadcast_in_dim3A_99 = vector.broadcast %reduce_sum3A_98 : f32 to vector<16xf32>
      %reduce_sum3A_100 = arith.constant true
      %reduce_sum3A_101 = vector.broadcast %reduce_sum3A_100 : i1 to vector<16xi1>
      %reduce_sum3A_102 = tpu.scan <sum>, %add3A_95 masked %reduce_sum3A_101 : vector<16xf32>, vector<16xi1> -> vector<16xf32>
      %reduce_sum3A_103 = vector.extract %reduce_sum3A_102[15] : f32 from vector<16xf32>
      %broadcast_in_dim3A_104 = vector.broadcast %reduce_sum3A_103 : f32 to vector<16xf32>
      %div3A = arith.divf %broadcast_in_dim3A_99, %broadcast_in_dim3A_104 : vector<16xf32>
      %jit3A_105 = arith.constant 0.000000e+00 : f32
      %jit3A_106 = arith.constant 1.000000e+00 : f32
      %max3A = vector.broadcast %jit3A_105 : f32 to vector<16xf32>
      %max3A_107 = arith.maximumf %max3A, %div3A : vector<16xf32>
      %min3A = vector.broadcast %jit3A_106 : f32 to vector<16xf32>
      %min3A_108 = arith.minimumf %min3A, %max3A_107 : vector<16xf32>
      %mul3A_109 = arith.constant 8 : i32
      %mul3A_110 = arith.muli %mul3A_53, %mul3A_109 : i32
      %add3A_111 = arith.constant 0 : i32
      %add3A_112 = arith.addi %mul3A_110, %add3A_111 : i32
      %broadcast_in_dim3A_113 = vector.broadcast %add3A_112 : i32 to vector<16xi32>
      %eq3A = arith.constant 0 : i32
      %eq3A_114 = vector.broadcast %eq3A : i32 to vector<16xi32>
      %eq3A_115 = arith.cmpi eq, %iota3A, %eq3A_114 : vector<16xi32>
      tpu.vector_store_idx %arg12[%broadcast_in_dim3A_113], %min3A_108 masked %eq3A_115 : memref<512xf32, #tpu.memory_space<vmem>>[vector<16xi32>], vector<16xf32>, vector<16xi1>
      %broadcast_in_dim3A_116 = arith.constant 0.000000e+00 : f32
      %broadcast_in_dim3A_117 = vector.broadcast %broadcast_in_dim3A_116 : f32 to vector<16xf32>
      %scan3A_118 = arith.constant 0 : i32
      %scan3A_119 = arith.constant 62 : i32
      %scan3A_120 = arith.addi %scan3A_118, %scan3A_119 : i32
      %scan3A_121 = arith.constant 1 : i32
      %scan3A_122:2 = scf.for %scan3A_931 = %scan3A_118 to %scan3A_120 step %scan3A_121 iter_args(%scan3A_932 = %broadcast_in_dim3A_117, %scan3A_933 = %broadcast_in_dim3A_117) -> (vector<16xf32>, vector<16xf32>)  : i32 {
        %mul3A_934 = arith.constant 16 : i32
        %mul3A_935 = arith.muli %scan3A_931, %mul3A_934 : i32
        %add3A_936 = arith.constant 1000 : i32
        %add3A_937 = arith.addi %add3A_936, %mul3A_935 : i32
        %add3A_938 = vector.broadcast %add3A_937 : i32 to vector<16xi32>
        %add3A_939 = arith.addi %iota3A, %add3A_938 : vector<16xi32>
        %gather3A_940 = tpu.vector_load_idx %arg6[%add3A_939] : memref<8016xf32, #tpu.memory_space<vmem>>[vector<16xi32>], vector<16xf32>,
        %gather3A_941 = tpu.vector_load_idx %arg8[%add3A_939] : memref<8016xi32, #tpu.memory_space<vmem>>[vector<16xi32>], vector<16xi32>,
        %add3A_942 = arith.constant 1000 : i32
        %add3A_943 = vector.broadcast %add3A_942 : i32 to vector<16xi32>
        %add3A_944 = arith.addi %gather3A_941, %add3A_943 : vector<16xi32>
        %gather3A_945 = tpu.vector_load_idx %arg10[%add3A_944] : memref<8016xf32, #tpu.memory_space<vmem>>[vector<16xi32>], vector<16xf32>,
        %exp3A_946 = math.exp %gather3A_940 : vector<16xf32>
        %mul3A_947 = arith.mulf %exp3A_946, %gather3A_945 : vector<16xf32>
        %add3A_948 = arith.addf %scan3A_932, %mul3A_947 : vector<16xf32>
        %add3A_949 = arith.addf %scan3A_933, %exp3A_946 : vector<16xf32>
        scf.yield %add3A_948, %add3A_949 : vector<16xf32>, vector<16xf32>
      }
      %scan3A_123 = arith.constant 62 : i32
      %add3A_124 = arith.constant 1992 : i32
      %add3A_125 = vector.broadcast %add3A_124 : i32 to vector<16xi32>
      %add3A_126 = arith.addi %iota3A, %add3A_125 : vector<16xi32>
      %gather3A_127 = tpu.vector_load_idx %arg6[%add3A_126] : memref<8016xf32, #tpu.memory_space<vmem>>[vector<16xi32>], vector<16xf32>,
      %gather3A_128 = tpu.vector_load_idx %arg8[%add3A_126] : memref<8016xi32, #tpu.memory_space<vmem>>[vector<16xi32>], vector<16xi32>,
      %jit3A_129 = arith.constant 0 : i32
      %broadcast_in_dim3A_130 = vector.broadcast %jit3A_129 : i32 to vector<16xi32>
      %select_n3A_131 = arith.select %lt3A_4, %gather3A_128, %broadcast_in_dim3A_130 : vector<16xi1>, vector<16xi32>
      %add3A_132 = arith.constant 1000 : i32
      %add3A_133 = vector.broadcast %add3A_132 : i32 to vector<16xi32>
      %add3A_134 = arith.addi %select_n3A_131, %add3A_133 : vector<16xi32>
      %gather3A_135 = tpu.vector_load_idx %arg10[%add3A_134] : memref<8016xf32, #tpu.memory_space<vmem>>[vector<16xi32>], vector<16xf32>,
      %exp3A_136 = math.exp %gather3A_127 : vector<16xf32>
      %jit3A_137 = arith.constant 0.000000e+00 : f32
      %broadcast_in_dim3A_138 = vector.broadcast %jit3A_137 : f32 to vector<16xf32>
      %select_n3A_139 = arith.select %lt3A_4, %exp3A_136, %broadcast_in_dim3A_138 : vector<16xi1>, vector<16xf32>
      %mul3A_140 = arith.mulf %select_n3A_139, %gather3A_135 : vector<16xf32>
      %add3A_141 = arith.addf %scan3A_122#0, %mul3A_140 : vector<16xf32>
      %add3A_142 = arith.addf %scan3A_122#1, %select_n3A_139 : vector<16xf32>
      %reduce_sum3A_143 = arith.constant true
      %reduce_sum3A_144 = vector.broadcast %reduce_sum3A_143 : i1 to vector<16xi1>
      %reduce_sum3A_145 = tpu.scan <sum>, %add3A_141 masked %reduce_sum3A_144 : vector<16xf32>, vector<16xi1> -> vector<16xf32>
      %reduce_sum3A_146 = vector.extract %reduce_sum3A_145[15] : f32 from vector<16xf32>
      %broadcast_in_dim3A_147 = vector.broadcast %reduce_sum3A_146 : f32 to vector<16xf32>
      %reduce_sum3A_148 = arith.constant true
      %reduce_sum3A_149 = vector.broadcast %reduce_sum3A_148 : i1 to vector<16xi1>
      %reduce_sum3A_150 = tpu.scan <sum>, %add3A_142 masked %reduce_sum3A_149 : vector<16xf32>, vector<16xi1> -> vector<16xf32>
      %reduce_sum3A_151 = vector.extract %reduce_sum3A_150[15] : f32 from vector<16xf32>
      %broadcast_in_dim3A_152 = vector.broadcast %reduce_sum3A_151 : f32 to vector<16xf32>
      %div3A_153 = arith.divf %broadcast_in_dim3A_147, %broadcast_in_dim3A_152 : vector<16xf32>
      %jit3A_154 = arith.constant 0.000000e+00 : f32
      %jit3A_155 = arith.constant 1.000000e+00 : f32
      %max3A_156 = vector.broadcast %jit3A_154 : f32 to vector<16xf32>
      %max3A_157 = arith.maximumf %max3A_156, %div3A_153 : vector<16xf32>
      %min3A_158 = vector.broadcast %jit3A_155 : f32 to vector<16xf32>
      %min3A_159 = arith.minimumf %min3A_158, %max3A_157 : vector<16xf32>
      %mul3A_160 = arith.constant 8 : i32
      %mul3A_161 = arith.muli %mul3A_53, %mul3A_160 : i32
      %add3A_162 = arith.constant 1 : i32
      %add3A_163 = arith.addi %mul3A_161, %add3A_162 : i32
      %broadcast_in_dim3A_164 = vector.broadcast %add3A_163 : i32 to vector<16xi32>
      %eq3A_165 = arith.constant 0 : i32
      %eq3A_166 = vector.broadcast %eq3A_165 : i32 to vector<16xi32>
      %eq3A_167 = arith.cmpi eq, %iota3A, %eq3A_166 : vector<16xi32>
      tpu.vector_store_idx %arg12[%broadcast_in_dim3A_164], %min3A_159 masked %eq3A_167 : memref<512xf32, #tpu.memory_space<vmem>>[vector<16xi32>], vector<16xf32>, vector<16xi1>
      %broadcast_in_dim3A_168 = arith.constant 0.000000e+00 : f32
      %broadcast_in_dim3A_169 = vector.broadcast %broadcast_in_dim3A_168 : f32 to vector<16xf32>
      %scan3A_170 = arith.constant 0 : i32
      %scan3A_171 = arith.constant 62 : i32
      %scan3A_172 = arith.addi %scan3A_170, %scan3A_171 : i32
      %scan3A_173 = arith.constant 1 : i32
      %scan3A_174:2 = scf.for %scan3A_931 = %scan3A_170 to %scan3A_172 step %scan3A_173 iter_args(%scan3A_932 = %broadcast_in_dim3A_169, %scan3A_933 = %broadcast_in_dim3A_169) -> (vector<16xf32>, vector<16xf32>)  : i32 {
        %mul3A_934 = arith.constant 16 : i32
        %mul3A_935 = arith.muli %scan3A_931, %mul3A_934 : i32
        %add3A_936 = arith.constant 2000 : i32
        %add3A_937 = arith.addi %add3A_936, %mul3A_935 : i32
        %add3A_938 = vector.broadcast %add3A_937 : i32 to vector<16xi32>
        %add3A_939 = arith.addi %iota3A, %add3A_938 : vector<16xi32>
        %gather3A_940 = tpu.vector_load_idx %arg6[%add3A_939] : memref<8016xf32, #tpu.memory_space<vmem>>[vector<16xi32>], vector<16xf32>,
        %gather3A_941 = tpu.vector_load_idx %arg8[%add3A_939] : memref<8016xi32, #tpu.memory_space<vmem>>[vector<16xi32>], vector<16xi32>,
        %add3A_942 = arith.constant 2000 : i32
        %add3A_943 = vector.broadcast %add3A_942 : i32 to vector<16xi32>
        %add3A_944 = arith.addi %gather3A_941, %add3A_943 : vector<16xi32>
        %gather3A_945 = tpu.vector_load_idx %arg10[%add3A_944] : memref<8016xf32, #tpu.memory_space<vmem>>[vector<16xi32>], vector<16xf32>,
        %exp3A_946 = math.exp %gather3A_940 : vector<16xf32>
        %mul3A_947 = arith.mulf %exp3A_946, %gather3A_945 : vector<16xf32>
        %add3A_948 = arith.addf %scan3A_932, %mul3A_947 : vector<16xf32>
        %add3A_949 = arith.addf %scan3A_933, %exp3A_946 : vector<16xf32>
        scf.yield %add3A_948, %add3A_949 : vector<16xf32>, vector<16xf32>
      }
      %scan3A_175 = arith.constant 62 : i32
      %add3A_176 = arith.constant 2992 : i32
      %add3A_177 = vector.broadcast %add3A_176 : i32 to vector<16xi32>
      %add3A_178 = arith.addi %iota3A, %add3A_177 : vector<16xi32>
      %gather3A_179 = tpu.vector_load_idx %arg6[%add3A_178] : memref<8016xf32, #tpu.memory_space<vmem>>[vector<16xi32>], vector<16xf32>,
      %gather3A_180 = tpu.vector_load_idx %arg8[%add3A_178] : memref<8016xi32, #tpu.memory_space<vmem>>[vector<16xi32>], vector<16xi32>,
      %jit3A_181 = arith.constant 0 : i32
      %broadcast_in_dim3A_182 = vector.broadcast %jit3A_181 : i32 to vector<16xi32>
      %select_n3A_183 = arith.select %lt3A_4, %gather3A_180, %broadcast_in_dim3A_182 : vector<16xi1>, vector<16xi32>
      %add3A_184 = arith.constant 2000 : i32
      %add3A_185 = vector.broadcast %add3A_184 : i32 to vector<16xi32>
      %add3A_186 = arith.addi %select_n3A_183, %add3A_185 : vector<16xi32>
      %gather3A_187 = tpu.vector_load_idx %arg10[%add3A_186] : memref<8016xf32, #tpu.memory_space<vmem>>[vector<16xi32>], vector<16xf32>,
      %exp3A_188 = math.exp %gather3A_179 : vector<16xf32>
      %jit3A_189 = arith.constant 0.000000e+00 : f32
      %broadcast_in_dim3A_190 = vector.broadcast %jit3A_189 : f32 to vector<16xf32>
      %select_n3A_191 = arith.select %lt3A_4, %exp3A_188, %broadcast_in_dim3A_190 : vector<16xi1>, vector<16xf32>
      %mul3A_192 = arith.mulf %select_n3A_191, %gather3A_187 : vector<16xf32>
      %add3A_193 = arith.addf %scan3A_174#0, %mul3A_192 : vector<16xf32>
      %add3A_194 = arith.addf %scan3A_174#1, %select_n3A_191 : vector<16xf32>
      %reduce_sum3A_195 = arith.constant true
      %reduce_sum3A_196 = vector.broadcast %reduce_sum3A_195 : i1 to vector<16xi1>
      %reduce_sum3A_197 = tpu.scan <sum>, %add3A_193 masked %reduce_sum3A_196 : vector<16xf32>, vector<16xi1> -> vector<16xf32>
      %reduce_sum3A_198 = vector.extract %reduce_sum3A_197[15] : f32 from vector<16xf32>
      %broadcast_in_dim3A_199 = vector.broadcast %reduce_sum3A_198 : f32 to vector<16xf32>
      %reduce_sum3A_200 = arith.constant true
      %reduce_sum3A_201 = vector.broadcast %reduce_sum3A_200 : i1 to vector<16xi1>
      %reduce_sum3A_202 = tpu.scan <sum>, %add3A_194 masked %reduce_sum3A_201 : vector<16xf32>, vector<16xi1> -> vector<16xf32>
      %reduce_sum3A_203 = vector.extract %reduce_sum3A_202[15] : f32 from vector<16xf32>
      %broadcast_in_dim3A_204 = vector.broadcast %reduce_sum3A_203 : f32 to vector<16xf32>
      %div3A_205 = arith.divf %broadcast_in_dim3A_199, %broadcast_in_dim3A_204 : vector<16xf32>
      %jit3A_206 = arith.constant 0.000000e+00 : f32
      %jit3A_207 = arith.constant 1.000000e+00 : f32
      %max3A_208 = vector.broadcast %jit3A_206 : f32 to vector<16xf32>
      %max3A_209 = arith.maximumf %max3A_208, %div3A_205 : vector<16xf32>
      %min3A_210 = vector.broadcast %jit3A_207 : f32 to vector<16xf32>
      %min3A_211 = arith.minimumf %min3A_210, %max3A_209 : vector<16xf32>
      %mul3A_212 = arith.constant 8 : i32
      %mul3A_213 = arith.muli %mul3A_53, %mul3A_212 : i32
      %add3A_214 = arith.constant 2 : i32
      %add3A_215 = arith.addi %mul3A_213, %add3A_214 : i32
      %broadcast_in_dim3A_216 = vector.broadcast %add3A_215 : i32 to vector<16xi32>
      %eq3A_217 = arith.constant 0 : i32
      %eq3A_218 = vector.broadcast %eq3A_217 : i32 to vector<16xi32>
      %eq3A_219 = arith.cmpi eq, %iota3A, %eq3A_218 : vector<16xi32>
      tpu.vector_store_idx %arg12[%broadcast_in_dim3A_216], %min3A_211 masked %eq3A_219 : memref<512xf32, #tpu.memory_space<vmem>>[vector<16xi32>], vector<16xf32>, vector<16xi1>
      %broadcast_in_dim3A_220 = arith.constant 0.000000e+00 : f32
      %broadcast_in_dim3A_221 = vector.broadcast %broadcast_in_dim3A_220 : f32 to vector<16xf32>
      %scan3A_222 = arith.constant 0 : i32
      %scan3A_223 = arith.constant 62 : i32
      %scan3A_224 = arith.addi %scan3A_222, %scan3A_223 : i32
      %scan3A_225 = arith.constant 1 : i32
      %scan3A_226:2 = scf.for %scan3A_931 = %scan3A_222 to %scan3A_224 step %scan3A_225 iter_args(%scan3A_932 = %broadcast_in_dim3A_221, %scan3A_933 = %broadcast_in_dim3A_221) -> (vector<16xf32>, vector<16xf32>)  : i32 {
        %mul3A_934 = arith.constant 16 : i32
        %mul3A_935 = arith.muli %scan3A_931, %mul3A_934 : i32
        %add3A_936 = arith.constant 3000 : i32
        %add3A_937 = arith.addi %add3A_936, %mul3A_935 : i32
        %add3A_938 = vector.broadcast %add3A_937 : i32 to vector<16xi32>
        %add3A_939 = arith.addi %iota3A, %add3A_938 : vector<16xi32>
        %gather3A_940 = tpu.vector_load_idx %arg6[%add3A_939] : memref<8016xf32, #tpu.memory_space<vmem>>[vector<16xi32>], vector<16xf32>,
        %gather3A_941 = tpu.vector_load_idx %arg8[%add3A_939] : memref<8016xi32, #tpu.memory_space<vmem>>[vector<16xi32>], vector<16xi32>,
        %add3A_942 = arith.constant 3000 : i32
        %add3A_943 = vector.broadcast %add3A_942 : i32 to vector<16xi32>
        %add3A_944 = arith.addi %gather3A_941, %add3A_943 : vector<16xi32>
        %gather3A_945 = tpu.vector_load_idx %arg10[%add3A_944] : memref<8016xf32, #tpu.memory_space<vmem>>[vector<16xi32>], vector<16xf32>,
        %exp3A_946 = math.exp %gather3A_940 : vector<16xf32>
        %mul3A_947 = arith.mulf %exp3A_946, %gather3A_945 : vector<16xf32>
        %add3A_948 = arith.addf %scan3A_932, %mul3A_947 : vector<16xf32>
        %add3A_949 = arith.addf %scan3A_933, %exp3A_946 : vector<16xf32>
        scf.yield %add3A_948, %add3A_949 : vector<16xf32>, vector<16xf32>
      }
      %scan3A_227 = arith.constant 62 : i32
      %add3A_228 = arith.constant 3992 : i32
      %add3A_229 = vector.broadcast %add3A_228 : i32 to vector<16xi32>
      %add3A_230 = arith.addi %iota3A, %add3A_229 : vector<16xi32>
      %gather3A_231 = tpu.vector_load_idx %arg6[%add3A_230] : memref<8016xf32, #tpu.memory_space<vmem>>[vector<16xi32>], vector<16xf32>,
      %gather3A_232 = tpu.vector_load_idx %arg8[%add3A_230] : memref<8016xi32, #tpu.memory_space<vmem>>[vector<16xi32>], vector<16xi32>,
      %jit3A_233 = arith.constant 0 : i32
      %broadcast_in_dim3A_234 = vector.broadcast %jit3A_233 : i32 to vector<16xi32>
      %select_n3A_235 = arith.select %lt3A_4, %gather3A_232, %broadcast_in_dim3A_234 : vector<16xi1>, vector<16xi32>
      %add3A_236 = arith.constant 3000 : i32
      %add3A_237 = vector.broadcast %add3A_236 : i32 to vector<16xi32>
      %add3A_238 = arith.addi %select_n3A_235, %add3A_237 : vector<16xi32>
      %gather3A_239 = tpu.vector_load_idx %arg10[%add3A_238] : memref<8016xf32, #tpu.memory_space<vmem>>[vector<16xi32>], vector<16xf32>,
      %exp3A_240 = math.exp %gather3A_231 : vector<16xf32>
      %jit3A_241 = arith.constant 0.000000e+00 : f32
      %broadcast_in_dim3A_242 = vector.broadcast %jit3A_241 : f32 to vector<16xf32>
      %select_n3A_243 = arith.select %lt3A_4, %exp3A_240, %broadcast_in_dim3A_242 : vector<16xi1>, vector<16xf32>
      %mul3A_244 = arith.mulf %select_n3A_243, %gather3A_239 : vector<16xf32>
      %add3A_245 = arith.addf %scan3A_226#0, %mul3A_244 : vector<16xf32>
      %add3A_246 = arith.addf %scan3A_226#1, %select_n3A_243 : vector<16xf32>
      %reduce_sum3A_247 = arith.constant true
      %reduce_sum3A_248 = vector.broadcast %reduce_sum3A_247 : i1 to vector<16xi1>
      %reduce_sum3A_249 = tpu.scan <sum>, %add3A_245 masked %reduce_sum3A_248 : vector<16xf32>, vector<16xi1> -> vector<16xf32>
      %reduce_sum3A_250 = vector.extract %reduce_sum3A_249[15] : f32 from vector<16xf32>
      %broadcast_in_dim3A_251 = vector.broadcast %reduce_sum3A_250 : f32 to vector<16xf32>
      %reduce_sum3A_252 = arith.constant true
      %reduce_sum3A_253 = vector.broadcast %reduce_sum3A_252 : i1 to vector<16xi1>
      %reduce_sum3A_254 = tpu.scan <sum>, %add3A_246 masked %reduce_sum3A_253 : vector<16xf32>, vector<16xi1> -> vector<16xf32>
      %reduce_sum3A_255 = vector.extract %reduce_sum3A_254[15] : f32 from vector<16xf32>
      %broadcast_in_dim3A_256 = vector.broadcast %reduce_sum3A_255 : f32 to vector<16xf32>
      %div3A_257 = arith.divf %broadcast_in_dim3A_251, %broadcast_in_dim3A_256 : vector<16xf32>
      %jit3A_258 = arith.constant 0.000000e+00 : f32
      %jit3A_259 = arith.constant 1.000000e+00 : f32
      %max3A_260 = vector.broadcast %jit3A_258 : f32 to vector<16xf32>
      %max3A_261 = arith.maximumf %max3A_260, %div3A_257 : vector<16xf32>
      %min3A_262 = vector.broadcast %jit3A_259 : f32 to vector<16xf32>
      %min3A_263 = arith.minimumf %min3A_262, %max3A_261 : vector<16xf32>
      %mul3A_264 = arith.constant 8 : i32
      %mul3A_265 = arith.muli %mul3A_53, %mul3A_264 : i32
      %add3A_266 = arith.constant 3 : i32
      %add3A_267 = arith.addi %mul3A_265, %add3A_266 : i32
      %broadcast_in_dim3A_268 = vector.broadcast %add3A_267 : i32 to vector<16xi32>
      %eq3A_269 = arith.constant 0 : i32
      %eq3A_270 = vector.broadcast %eq3A_269 : i32 to vector<16xi32>
      %eq3A_271 = arith.cmpi eq, %iota3A, %eq3A_270 : vector<16xi32>
      tpu.vector_store_idx %arg12[%broadcast_in_dim3A_268], %min3A_263 masked %eq3A_271 : memref<512xf32, #tpu.memory_space<vmem>>[vector<16xi32>], vector<16xf32>, vector<16xi1>
      %broadcast_in_dim3A_272 = arith.constant 0.000000e+00 : f32
      %broadcast_in_dim3A_273 = vector.broadcast %broadcast_in_dim3A_272 : f32 to vector<16xf32>
      %scan3A_274 = arith.constant 0 : i32
      %scan3A_275 = arith.constant 62 : i32
      %scan3A_276 = arith.addi %scan3A_274, %scan3A_275 : i32
      %scan3A_277 = arith.constant 1 : i32
      %scan3A_278:2 = scf.for %scan3A_931 = %scan3A_274 to %scan3A_276 step %scan3A_277 iter_args(%scan3A_932 = %broadcast_in_dim3A_273, %scan3A_933 = %broadcast_in_dim3A_273) -> (vector<16xf32>, vector<16xf32>)  : i32 {
        %mul3A_934 = arith.constant 16 : i32
        %mul3A_935 = arith.muli %scan3A_931, %mul3A_934 : i32
        %add3A_936 = arith.constant 4000 : i32
        %add3A_937 = arith.addi %add3A_936, %mul3A_935 : i32
        %add3A_938 = vector.broadcast %add3A_937 : i32 to vector<16xi32>
        %add3A_939 = arith.addi %iota3A, %add3A_938 : vector<16xi32>
        %gather3A_940 = tpu.vector_load_idx %arg6[%add3A_939] : memref<8016xf32, #tpu.memory_space<vmem>>[vector<16xi32>], vector<16xf32>,
        %gather3A_941 = tpu.vector_load_idx %arg8[%add3A_939] : memref<8016xi32, #tpu.memory_space<vmem>>[vector<16xi32>], vector<16xi32>,
        %add3A_942 = arith.constant 4000 : i32
        %add3A_943 = vector.broadcast %add3A_942 : i32 to vector<16xi32>
        %add3A_944 = arith.addi %gather3A_941, %add3A_943 : vector<16xi32>
        %gather3A_945 = tpu.vector_load_idx %arg10[%add3A_944] : memref<8016xf32, #tpu.memory_space<vmem>>[vector<16xi32>], vector<16xf32>,
        %exp3A_946 = math.exp %gather3A_940 : vector<16xf32>
        %mul3A_947 = arith.mulf %exp3A_946, %gather3A_945 : vector<16xf32>
        %add3A_948 = arith.addf %scan3A_932, %mul3A_947 : vector<16xf32>
        %add3A_949 = arith.addf %scan3A_933, %exp3A_946 : vector<16xf32>
        scf.yield %add3A_948, %add3A_949 : vector<16xf32>, vector<16xf32>
      }
      %scan3A_279 = arith.constant 62 : i32
      %add3A_280 = arith.constant 4992 : i32
      %add3A_281 = vector.broadcast %add3A_280 : i32 to vector<16xi32>
      %add3A_282 = arith.addi %iota3A, %add3A_281 : vector<16xi32>
      %gather3A_283 = tpu.vector_load_idx %arg6[%add3A_282] : memref<8016xf32, #tpu.memory_space<vmem>>[vector<16xi32>], vector<16xf32>,
      %gather3A_284 = tpu.vector_load_idx %arg8[%add3A_282] : memref<8016xi32, #tpu.memory_space<vmem>>[vector<16xi32>], vector<16xi32>,
      %jit3A_285 = arith.constant 0 : i32
      %broadcast_in_dim3A_286 = vector.broadcast %jit3A_285 : i32 to vector<16xi32>
      %select_n3A_287 = arith.select %lt3A_4, %gather3A_284, %broadcast_in_dim3A_286 : vector<16xi1>, vector<16xi32>
      %add3A_288 = arith.constant 4000 : i32
      %add3A_289 = vector.broadcast %add3A_288 : i32 to vector<16xi32>
      %add3A_290 = arith.addi %select_n3A_287, %add3A_289 : vector<16xi32>
      %gather3A_291 = tpu.vector_load_idx %arg10[%add3A_290] : memref<8016xf32, #tpu.memory_space<vmem>>[vector<16xi32>], vector<16xf32>,
      %exp3A_292 = math.exp %gather3A_283 : vector<16xf32>
      %jit3A_293 = arith.constant 0.000000e+00 : f32
      %broadcast_in_dim3A_294 = vector.broadcast %jit3A_293 : f32 to vector<16xf32>
      %select_n3A_295 = arith.select %lt3A_4, %exp3A_292, %broadcast_in_dim3A_294 : vector<16xi1>, vector<16xf32>
      %mul3A_296 = arith.mulf %select_n3A_295, %gather3A_291 : vector<16xf32>
      %add3A_297 = arith.addf %scan3A_278#0, %mul3A_296 : vector<16xf32>
      %add3A_298 = arith.addf %scan3A_278#1, %select_n3A_295 : vector<16xf32>
      %reduce_sum3A_299 = arith.constant true
      %reduce_sum3A_300 = vector.broadcast %reduce_sum3A_299 : i1 to vector<16xi1>
      %reduce_sum3A_301 = tpu.scan <sum>, %add3A_297 masked %reduce_sum3A_300 : vector<16xf32>, vector<16xi1> -> vector<16xf32>
      %reduce_sum3A_302 = vector.extract %reduce_sum3A_301[15] : f32 from vector<16xf32>
      %broadcast_in_dim3A_303 = vector.broadcast %reduce_sum3A_302 : f32 to vector<16xf32>
      %reduce_sum3A_304 = arith.constant true
      %reduce_sum3A_305 = vector.broadcast %reduce_sum3A_304 : i1 to vector<16xi1>
      %reduce_sum3A_306 = tpu.scan <sum>, %add3A_298 masked %reduce_sum3A_305 : vector<16xf32>, vector<16xi1> -> vector<16xf32>
      %reduce_sum3A_307 = vector.extract %reduce_sum3A_306[15] : f32 from vector<16xf32>
      %broadcast_in_dim3A_308 = vector.broadcast %reduce_sum3A_307 : f32 to vector<16xf32>
      %div3A_309 = arith.divf %broadcast_in_dim3A_303, %broadcast_in_dim3A_308 : vector<16xf32>
      %jit3A_310 = arith.constant 0.000000e+00 : f32
      %jit3A_311 = arith.constant 1.000000e+00 : f32
      %max3A_312 = vector.broadcast %jit3A_310 : f32 to vector<16xf32>
      %max3A_313 = arith.maximumf %max3A_312, %div3A_309 : vector<16xf32>
      %min3A_314 = vector.broadcast %jit3A_311 : f32 to vector<16xf32>
      %min3A_315 = arith.minimumf %min3A_314, %max3A_313 : vector<16xf32>
      %mul3A_316 = arith.constant 8 : i32
      %mul3A_317 = arith.muli %mul3A_53, %mul3A_316 : i32
      %add3A_318 = arith.constant 4 : i32
      %add3A_319 = arith.addi %mul3A_317, %add3A_318 : i32
      %broadcast_in_dim3A_320 = vector.broadcast %add3A_319 : i32 to vector<16xi32>
      %eq3A_321 = arith.constant 0 : i32
      %eq3A_322 = vector.broadcast %eq3A_321 : i32 to vector<16xi32>
      %eq3A_323 = arith.cmpi eq, %iota3A, %eq3A_322 : vector<16xi32>
      tpu.vector_store_idx %arg12[%broadcast_in_dim3A_320], %min3A_315 masked %eq3A_323 : memref<512xf32, #tpu.memory_space<vmem>>[vector<16xi32>], vector<16xf32>, vector<16xi1>
      %broadcast_in_dim3A_324 = arith.constant 0.000000e+00 : f32
      %broadcast_in_dim3A_325 = vector.broadcast %broadcast_in_dim3A_324 : f32 to vector<16xf32>
      %scan3A_326 = arith.constant 0 : i32
      %scan3A_327 = arith.constant 62 : i32
      %scan3A_328 = arith.addi %scan3A_326, %scan3A_327 : i32
      %scan3A_329 = arith.constant 1 : i32
      %scan3A_330:2 = scf.for %scan3A_931 = %scan3A_326 to %scan3A_328 step %scan3A_329 iter_args(%scan3A_932 = %broadcast_in_dim3A_325, %scan3A_933 = %broadcast_in_dim3A_325) -> (vector<16xf32>, vector<16xf32>)  : i32 {
        %mul3A_934 = arith.constant 16 : i32
        %mul3A_935 = arith.muli %scan3A_931, %mul3A_934 : i32
        %add3A_936 = arith.constant 5000 : i32
        %add3A_937 = arith.addi %add3A_936, %mul3A_935 : i32
        %add3A_938 = vector.broadcast %add3A_937 : i32 to vector<16xi32>
        %add3A_939 = arith.addi %iota3A, %add3A_938 : vector<16xi32>
        %gather3A_940 = tpu.vector_load_idx %arg6[%add3A_939] : memref<8016xf32, #tpu.memory_space<vmem>>[vector<16xi32>], vector<16xf32>,
        %gather3A_941 = tpu.vector_load_idx %arg8[%add3A_939] : memref<8016xi32, #tpu.memory_space<vmem>>[vector<16xi32>], vector<16xi32>,
        %add3A_942 = arith.constant 5000 : i32
        %add3A_943 = vector.broadcast %add3A_942 : i32 to vector<16xi32>
        %add3A_944 = arith.addi %gather3A_941, %add3A_943 : vector<16xi32>
        %gather3A_945 = tpu.vector_load_idx %arg10[%add3A_944] : memref<8016xf32, #tpu.memory_space<vmem>>[vector<16xi32>], vector<16xf32>,
        %exp3A_946 = math.exp %gather3A_940 : vector<16xf32>
        %mul3A_947 = arith.mulf %exp3A_946, %gather3A_945 : vector<16xf32>
        %add3A_948 = arith.addf %scan3A_932, %mul3A_947 : vector<16xf32>
        %add3A_949 = arith.addf %scan3A_933, %exp3A_946 : vector<16xf32>
        scf.yield %add3A_948, %add3A_949 : vector<16xf32>, vector<16xf32>
      }
      %scan3A_331 = arith.constant 62 : i32
      %add3A_332 = arith.constant 5992 : i32
      %add3A_333 = vector.broadcast %add3A_332 : i32 to vector<16xi32>
      %add3A_334 = arith.addi %iota3A, %add3A_333 : vector<16xi32>
      %gather3A_335 = tpu.vector_load_idx %arg6[%add3A_334] : memref<8016xf32, #tpu.memory_space<vmem>>[vector<16xi32>], vector<16xf32>,
      %gather3A_336 = tpu.vector_load_idx %arg8[%add3A_334] : memref<8016xi32, #tpu.memory_space<vmem>>[vector<16xi32>], vector<16xi32>,
      %jit3A_337 = arith.constant 0 : i32
      %broadcast_in_dim3A_338 = vector.broadcast %jit3A_337 : i32 to vector<16xi32>
      %select_n3A_339 = arith.select %lt3A_4, %gather3A_336, %broadcast_in_dim3A_338 : vector<16xi1>, vector<16xi32>
      %add3A_340 = arith.constant 5000 : i32
      %add3A_341 = vector.broadcast %add3A_340 : i32 to vector<16xi32>
      %add3A_342 = arith.addi %select_n3A_339, %add3A_341 : vector<16xi32>
      %gather3A_343 = tpu.vector_load_idx %arg10[%add3A_342] : memref<8016xf32, #tpu.memory_space<vmem>>[vector<16xi32>], vector<16xf32>,
      %exp3A_344 = math.exp %gather3A_335 : vector<16xf32>
      %jit3A_345 = arith.constant 0.000000e+00 : f32
      %broadcast_in_dim3A_346 = vector.broadcast %jit3A_345 : f32 to vector<16xf32>
      %select_n3A_347 = arith.select %lt3A_4, %exp3A_344, %broadcast_in_dim3A_346 : vector<16xi1>, vector<16xf32>
      %mul3A_348 = arith.mulf %select_n3A_347, %gather3A_343 : vector<16xf32>
      %add3A_349 = arith.addf %scan3A_330#0, %mul3A_348 : vector<16xf32>
      %add3A_350 = arith.addf %scan3A_330#1, %select_n3A_347 : vector<16xf32>
      %reduce_sum3A_351 = arith.constant true
      %reduce_sum3A_352 = vector.broadcast %reduce_sum3A_351 : i1 to vector<16xi1>
      %reduce_sum3A_353 = tpu.scan <sum>, %add3A_349 masked %reduce_sum3A_352 : vector<16xf32>, vector<16xi1> -> vector<16xf32>
      %reduce_sum3A_354 = vector.extract %reduce_sum3A_353[15] : f32 from vector<16xf32>
      %broadcast_in_dim3A_355 = vector.broadcast %reduce_sum3A_354 : f32 to vector<16xf32>
      %reduce_sum3A_356 = arith.constant true
      %reduce_sum3A_357 = vector.broadcast %reduce_sum3A_356 : i1 to vector<16xi1>
      %reduce_sum3A_358 = tpu.scan <sum>, %add3A_350 masked %reduce_sum3A_357 : vector<16xf32>, vector<16xi1> -> vector<16xf32>
      %reduce_sum3A_359 = vector.extract %reduce_sum3A_358[15] : f32 from vector<16xf32>
      %broadcast_in_dim3A_360 = vector.broadcast %reduce_sum3A_359 : f32 to vector<16xf32>
      %div3A_361 = arith.divf %broadcast_in_dim3A_355, %broadcast_in_dim3A_360 : vector<16xf32>
      %jit3A_362 = arith.constant 0.000000e+00 : f32
      %jit3A_363 = arith.constant 1.000000e+00 : f32
      %max3A_364 = vector.broadcast %jit3A_362 : f32 to vector<16xf32>
      %max3A_365 = arith.maximumf %max3A_364, %div3A_361 : vector<16xf32>
      %min3A_366 = vector.broadcast %jit3A_363 : f32 to vector<16xf32>
      %min3A_367 = arith.minimumf %min3A_366, %max3A_365 : vector<16xf32>
      %mul3A_368 = arith.constant 8 : i32
      %mul3A_369 = arith.muli %mul3A_53, %mul3A_368 : i32
      %add3A_370 = arith.constant 5 : i32
      %add3A_371 = arith.addi %mul3A_369, %add3A_370 : i32
      %broadcast_in_dim3A_372 = vector.broadcast %add3A_371 : i32 to vector<16xi32>
      %eq3A_373 = arith.constant 0 : i32
      %eq3A_374 = vector.broadcast %eq3A_373 : i32 to vector<16xi32>
      %eq3A_375 = arith.cmpi eq, %iota3A, %eq3A_374 : vector<16xi32>
      tpu.vector_store_idx %arg12[%broadcast_in_dim3A_372], %min3A_367 masked %eq3A_375 : memref<512xf32, #tpu.memory_space<vmem>>[vector<16xi32>], vector<16xf32>, vector<16xi1>
      %broadcast_in_dim3A_376 = arith.constant 0.000000e+00 : f32
      %broadcast_in_dim3A_377 = vector.broadcast %broadcast_in_dim3A_376 : f32 to vector<16xf32>
      %scan3A_378 = arith.constant 0 : i32
      %scan3A_379 = arith.constant 62 : i32
      %scan3A_380 = arith.addi %scan3A_378, %scan3A_379 : i32
      %scan3A_381 = arith.constant 1 : i32
      %scan3A_382:2 = scf.for %scan3A_931 = %scan3A_378 to %scan3A_380 step %scan3A_381 iter_args(%scan3A_932 = %broadcast_in_dim3A_377, %scan3A_933 = %broadcast_in_dim3A_377) -> (vector<16xf32>, vector<16xf32>)  : i32 {
        %mul3A_934 = arith.constant 16 : i32
        %mul3A_935 = arith.muli %scan3A_931, %mul3A_934 : i32
        %add3A_936 = arith.constant 6000 : i32
        %add3A_937 = arith.addi %add3A_936, %mul3A_935 : i32
        %add3A_938 = vector.broadcast %add3A_937 : i32 to vector<16xi32>
        %add3A_939 = arith.addi %iota3A, %add3A_938 : vector<16xi32>
        %gather3A_940 = tpu.vector_load_idx %arg6[%add3A_939] : memref<8016xf32, #tpu.memory_space<vmem>>[vector<16xi32>], vector<16xf32>,
        %gather3A_941 = tpu.vector_load_idx %arg8[%add3A_939] : memref<8016xi32, #tpu.memory_space<vmem>>[vector<16xi32>], vector<16xi32>,
        %add3A_942 = arith.constant 6000 : i32
        %add3A_943 = vector.broadcast %add3A_942 : i32 to vector<16xi32>
        %add3A_944 = arith.addi %gather3A_941, %add3A_943 : vector<16xi32>
        %gather3A_945 = tpu.vector_load_idx %arg10[%add3A_944] : memref<8016xf32, #tpu.memory_space<vmem>>[vector<16xi32>], vector<16xf32>,
        %exp3A_946 = math.exp %gather3A_940 : vector<16xf32>
        %mul3A_947 = arith.mulf %exp3A_946, %gather3A_945 : vector<16xf32>
        %add3A_948 = arith.addf %scan3A_932, %mul3A_947 : vector<16xf32>
        %add3A_949 = arith.addf %scan3A_933, %exp3A_946 : vector<16xf32>
        scf.yield %add3A_948, %add3A_949 : vector<16xf32>, vector<16xf32>
      }
      %scan3A_383 = arith.constant 62 : i32
      %add3A_384 = arith.constant 6992 : i32
      %add3A_385 = vector.broadcast %add3A_384 : i32 to vector<16xi32>
      %add3A_386 = arith.addi %iota3A, %add3A_385 : vector<16xi32>
      %gather3A_387 = tpu.vector_load_idx %arg6[%add3A_386] : memref<8016xf32, #tpu.memory_space<vmem>>[vector<16xi32>], vector<16xf32>,
      %gather3A_388 = tpu.vector_load_idx %arg8[%add3A_386] : memref<8016xi32, #tpu.memory_space<vmem>>[vector<16xi32>], vector<16xi32>,
      %jit3A_389 = arith.constant 0 : i32
      %broadcast_in_dim3A_390 = vector.broadcast %jit3A_389 : i32 to vector<16xi32>
      %select_n3A_391 = arith.select %lt3A_4, %gather3A_388, %broadcast_in_dim3A_390 : vector<16xi1>, vector<16xi32>
      %add3A_392 = arith.constant 6000 : i32
      %add3A_393 = vector.broadcast %add3A_392 : i32 to vector<16xi32>
      %add3A_394 = arith.addi %select_n3A_391, %add3A_393 : vector<16xi32>
      %gather3A_395 = tpu.vector_load_idx %arg10[%add3A_394] : memref<8016xf32, #tpu.memory_space<vmem>>[vector<16xi32>], vector<16xf32>,
      %exp3A_396 = math.exp %gather3A_387 : vector<16xf32>
      %jit3A_397 = arith.constant 0.000000e+00 : f32
      %broadcast_in_dim3A_398 = vector.broadcast %jit3A_397 : f32 to vector<16xf32>
      %select_n3A_399 = arith.select %lt3A_4, %exp3A_396, %broadcast_in_dim3A_398 : vector<16xi1>, vector<16xf32>
      %mul3A_400 = arith.mulf %select_n3A_399, %gather3A_395 : vector<16xf32>
      %add3A_401 = arith.addf %scan3A_382#0, %mul3A_400 : vector<16xf32>
      %add3A_402 = arith.addf %scan3A_382#1, %select_n3A_399 : vector<16xf32>
      %reduce_sum3A_403 = arith.constant true
      %reduce_sum3A_404 = vector.broadcast %reduce_sum3A_403 : i1 to vector<16xi1>
      %reduce_sum3A_405 = tpu.scan <sum>, %add3A_401 masked %reduce_sum3A_404 : vector<16xf32>, vector<16xi1> -> vector<16xf32>
      %reduce_sum3A_406 = vector.extract %reduce_sum3A_405[15] : f32 from vector<16xf32>
      %broadcast_in_dim3A_407 = vector.broadcast %reduce_sum3A_406 : f32 to vector<16xf32>
      %reduce_sum3A_408 = arith.constant true
      %reduce_sum3A_409 = vector.broadcast %reduce_sum3A_408 : i1 to vector<16xi1>
      %reduce_sum3A_410 = tpu.scan <sum>, %add3A_402 masked %reduce_sum3A_409 : vector<16xf32>, vector<16xi1> -> vector<16xf32>
      %reduce_sum3A_411 = vector.extract %reduce_sum3A_410[15] : f32 from vector<16xf32>
      %broadcast_in_dim3A_412 = vector.broadcast %reduce_sum3A_411 : f32 to vector<16xf32>
      %div3A_413 = arith.divf %broadcast_in_dim3A_407, %broadcast_in_dim3A_412 : vector<16xf32>
      %jit3A_414 = arith.constant 0.000000e+00 : f32
      %jit3A_415 = arith.constant 1.000000e+00 : f32
      %max3A_416 = vector.broadcast %jit3A_414 : f32 to vector<16xf32>
      %max3A_417 = arith.maximumf %max3A_416, %div3A_413 : vector<16xf32>
      %min3A_418 = vector.broadcast %jit3A_415 : f32 to vector<16xf32>
      %min3A_419 = arith.minimumf %min3A_418, %max3A_417 : vector<16xf32>
      %mul3A_420 = arith.constant 8 : i32
      %mul3A_421 = arith.muli %mul3A_53, %mul3A_420 : i32
      %add3A_422 = arith.constant 6 : i32
      %add3A_423 = arith.addi %mul3A_421, %add3A_422 : i32
      %broadcast_in_dim3A_424 = vector.broadcast %add3A_423 : i32 to vector<16xi32>
      %eq3A_425 = arith.constant 0 : i32
      %eq3A_426 = vector.broadcast %eq3A_425 : i32 to vector<16xi32>
      %eq3A_427 = arith.cmpi eq, %iota3A, %eq3A_426 : vector<16xi32>
      tpu.vector_store_idx %arg12[%broadcast_in_dim3A_424], %min3A_419 masked %eq3A_427 : memref<512xf32, #tpu.memory_space<vmem>>[vector<16xi32>], vector<16xf32>, vector<16xi1>
      %broadcast_in_dim3A_428 = arith.constant 0.000000e+00 : f32
      %broadcast_in_dim3A_429 = vector.broadcast %broadcast_in_dim3A_428 : f32 to vector<16xf32>
      %scan3A_430 = arith.constant 0 : i32
      %scan3A_431 = arith.constant 62 : i32
      %scan3A_432 = arith.addi %scan3A_430, %scan3A_431 : i32
      %scan3A_433 = arith.constant 1 : i32
      %scan3A_434:2 = scf.for %scan3A_931 = %scan3A_430 to %scan3A_432 step %scan3A_433 iter_args(%scan3A_932 = %broadcast_in_dim3A_429, %scan3A_933 = %broadcast_in_dim3A_429) -> (vector<16xf32>, vector<16xf32>)  : i32 {
        %mul3A_934 = arith.constant 16 : i32
        %mul3A_935 = arith.muli %scan3A_931, %mul3A_934 : i32
        %add3A_936 = arith.constant 7000 : i32
        %add3A_937 = arith.addi %add3A_936, %mul3A_935 : i32
        %add3A_938 = vector.broadcast %add3A_937 : i32 to vector<16xi32>
        %add3A_939 = arith.addi %iota3A, %add3A_938 : vector<16xi32>
        %gather3A_940 = tpu.vector_load_idx %arg6[%add3A_939] : memref<8016xf32, #tpu.memory_space<vmem>>[vector<16xi32>], vector<16xf32>,
        %gather3A_941 = tpu.vector_load_idx %arg8[%add3A_939] : memref<8016xi32, #tpu.memory_space<vmem>>[vector<16xi32>], vector<16xi32>,
        %add3A_942 = arith.constant 7000 : i32
        %add3A_943 = vector.broadcast %add3A_942 : i32 to vector<16xi32>
        %add3A_944 = arith.addi %gather3A_941, %add3A_943 : vector<16xi32>
        %gather3A_945 = tpu.vector_load_idx %arg10[%add3A_944] : memref<8016xf32, #tpu.memory_space<vmem>>[vector<16xi32>], vector<16xf32>,
        %exp3A_946 = math.exp %gather3A_940 : vector<16xf32>
        %mul3A_947 = arith.mulf %exp3A_946, %gather3A_945 : vector<16xf32>
        %add3A_948 = arith.addf %scan3A_932, %mul3A_947 : vector<16xf32>
        %add3A_949 = arith.addf %scan3A_933, %exp3A_946 : vector<16xf32>
        scf.yield %add3A_948, %add3A_949 : vector<16xf32>, vector<16xf32>
      }
      %scan3A_435 = arith.constant 62 : i32
      %add3A_436 = arith.constant 7992 : i32
      %add3A_437 = vector.broadcast %add3A_436 : i32 to vector<16xi32>
      %add3A_438 = arith.addi %iota3A, %add3A_437 : vector<16xi32>
      %gather3A_439 = tpu.vector_load_idx %arg6[%add3A_438] : memref<8016xf32, #tpu.memory_space<vmem>>[vector<16xi32>], vector<16xf32>,
      %gather3A_440 = tpu.vector_load_idx %arg8[%add3A_438] : memref<8016xi32, #tpu.memory_space<vmem>>[vector<16xi32>], vector<16xi32>,
      %jit3A_441 = arith.constant 0 : i32
      %broadcast_in_dim3A_442 = vector.broadcast %jit3A_441 : i32 to vector<16xi32>
      %select_n3A_443 = arith.select %lt3A_4, %gather3A_440, %broadcast_in_dim3A_442 : vector<16xi1>, vector<16xi32>
      %add3A_444 = arith.constant 7000 : i32
      %add3A_445 = vector.broadcast %add3A_444 : i32 to vector<16xi32>
      %add3A_446 = arith.addi %select_n3A_443, %add3A_445 : vector<16xi32>
      %gather3A_447 = tpu.vector_load_idx %arg10[%add3A_446] : memref<8016xf32, #tpu.memory_space<vmem>>[vector<16xi32>], vector<16xf32>,
      %exp3A_448 = math.exp %gather3A_439 : vector<16xf32>
      %jit3A_449 = arith.constant 0.000000e+00 : f32
      %broadcast_in_dim3A_450 = vector.broadcast %jit3A_449 : f32 to vector<16xf32>
      %select_n3A_451 = arith.select %lt3A_4, %exp3A_448, %broadcast_in_dim3A_450 : vector<16xi1>, vector<16xf32>
      %mul3A_452 = arith.mulf %select_n3A_451, %gather3A_447 : vector<16xf32>
      %add3A_453 = arith.addf %scan3A_434#0, %mul3A_452 : vector<16xf32>
      %add3A_454 = arith.addf %scan3A_434#1, %select_n3A_451 : vector<16xf32>
      %reduce_sum3A_455 = arith.constant true
      %reduce_sum3A_456 = vector.broadcast %reduce_sum3A_455 : i1 to vector<16xi1>
      %reduce_sum3A_457 = tpu.scan <sum>, %add3A_453 masked %reduce_sum3A_456 : vector<16xf32>, vector<16xi1> -> vector<16xf32>
      %reduce_sum3A_458 = vector.extract %reduce_sum3A_457[15] : f32 from vector<16xf32>
      %broadcast_in_dim3A_459 = vector.broadcast %reduce_sum3A_458 : f32 to vector<16xf32>
      %reduce_sum3A_460 = arith.constant true
      %reduce_sum3A_461 = vector.broadcast %reduce_sum3A_460 : i1 to vector<16xi1>
      %reduce_sum3A_462 = tpu.scan <sum>, %add3A_454 masked %reduce_sum3A_461 : vector<16xf32>, vector<16xi1> -> vector<16xf32>
      %reduce_sum3A_463 = vector.extract %reduce_sum3A_462[15] : f32 from vector<16xf32>
      %broadcast_in_dim3A_464 = vector.broadcast %reduce_sum3A_463 : f32 to vector<16xf32>
      %div3A_465 = arith.divf %broadcast_in_dim3A_459, %broadcast_in_dim3A_464 : vector<16xf32>
      %jit3A_466 = arith.constant 0.000000e+00 : f32
      %jit3A_467 = arith.constant 1.000000e+00 : f32
      %max3A_468 = vector.broadcast %jit3A_466 : f32 to vector<16xf32>
      %max3A_469 = arith.maximumf %max3A_468, %div3A_465 : vector<16xf32>
      %min3A_470 = vector.broadcast %jit3A_467 : f32 to vector<16xf32>
      %min3A_471 = arith.minimumf %min3A_470, %max3A_469 : vector<16xf32>
      %mul3A_472 = arith.constant 8 : i32
      %mul3A_473 = arith.muli %mul3A_53, %mul3A_472 : i32
      %add3A_474 = arith.constant 7 : i32
      %add3A_475 = arith.addi %mul3A_473, %add3A_474 : i32
      %broadcast_in_dim3A_476 = vector.broadcast %add3A_475 : i32 to vector<16xi32>
      %eq3A_477 = arith.constant 0 : i32
      %eq3A_478 = vector.broadcast %eq3A_477 : i32 to vector<16xi32>
      %eq3A_479 = arith.cmpi eq, %iota3A, %eq3A_478 : vector<16xi32>
      tpu.vector_store_idx %arg12[%broadcast_in_dim3A_476], %min3A_471 masked %eq3A_479 : memref<512xf32, #tpu.memory_space<vmem>>[vector<16xi32>], vector<16xf32>, vector<16xi1>
      %add3A_480 = arith.constant 2 : i32
      %add3A_481 = arith.addi %mul3A_53, %add3A_480 : i32
      %lt3A_482 = arith.constant 64 : i32
      %lt3A_483 = arith.cmpi slt, %add3A_481, %lt3A_482 : i32
      %convert_element_type3A = arith.extui %lt3A_483 : i1 to i32
      %cond3A = arith.constant 0 : i32
      %cond3A_484 = arith.cmpi ne, %convert_element_type3A, %cond3A : i32
      scf.if %cond3A_484 {
        %add3A_931 = arith.constant 2 : i32
        %add3A_932 = arith.addi %mul3A_53, %add3A_931 : i32
        %mul3A_933 = arith.constant 8000 : i32
        %mul3A_934 = arith.muli %add3A_932, %mul3A_933 : i32
        %add3A_935 = arith.addi %mul3A_2, %mul3A_934 : i32
        %dma_start3A_936 = arith.constant 0 : i32
        %dma_start3A_937 = tpu.memref_slice %arg6[%dma_start3A_936] : memref<8016xf32, #tpu.memory_space<vmem>> -> memref<8000xf32, #tpu.memory_space<vmem>>
        %dma_start3A_938 = tpu.memref_slice %arg2[%add3A_935] : memref<16384000xf32, #tpu.memory_space<hbm>> -> memref<8000xf32, #tpu.memory_space<hbm>>
        %dma_start3A_939 = arith.constant 0 : i32
        %dma_start3A_940 = tpu.memref_slice %arg6[%dma_start3A_939] : memref<8016xf32, #tpu.memory_space<vmem>> -> memref<8000xf32, #tpu.memory_space<vmem>>
        %dma_start3A_941 = tpu.memref_slice %arg2[%add3A_935] : memref<16384000xf32, #tpu.memory_space<hbm>> -> memref<8000xf32, #tpu.memory_space<hbm>>
        tpu.enqueue_dma source(%dma_start3A_941 : memref<8000xf32, #tpu.memory_space<hbm>>) target(%dma_start3A_940 : memref<8000xf32, #tpu.memory_space<vmem>>) target_semaphore(%arg13 : memref<!tpu.dma_semaphore, #tpu.memory_space<semaphore_mem>>)
        %dma_start3A_942 = arith.constant 0 : i32
        %dma_start3A_943 = tpu.memref_slice %arg8[%dma_start3A_942] : memref<8016xi32, #tpu.memory_space<vmem>> -> memref<8000xi32, #tpu.memory_space<vmem>>
        %dma_start3A_944 = tpu.memref_slice %arg3[%add3A_935] : memref<16384000xi32, #tpu.memory_space<hbm>> -> memref<8000xi32, #tpu.memory_space<hbm>>
        %dma_start3A_945 = arith.constant 0 : i32
        %dma_start3A_946 = tpu.memref_slice %arg8[%dma_start3A_945] : memref<8016xi32, #tpu.memory_space<vmem>> -> memref<8000xi32, #tpu.memory_space<vmem>>
        %dma_start3A_947 = tpu.memref_slice %arg3[%add3A_935] : memref<16384000xi32, #tpu.memory_space<hbm>> -> memref<8000xi32, #tpu.memory_space<hbm>>
        tpu.enqueue_dma source(%dma_start3A_947 : memref<8000xi32, #tpu.memory_space<hbm>>) target(%dma_start3A_946 : memref<8000xi32, #tpu.memory_space<vmem>>) target_semaphore(%arg15 : memref<!tpu.dma_semaphore, #tpu.memory_space<semaphore_mem>>)
        %dma_start3A_948 = arith.constant 0 : i32
        %dma_start3A_949 = tpu.memref_slice %arg10[%dma_start3A_948] : memref<8016xf32, #tpu.memory_space<vmem>> -> memref<8000xf32, #tpu.memory_space<vmem>>
        %dma_start3A_950 = tpu.memref_slice %arg4[%add3A_935] : memref<16384000xf32, #tpu.memory_space<hbm>> -> memref<8000xf32, #tpu.memory_space<hbm>>
        %dma_start3A_951 = arith.constant 0 : i32
        %dma_start3A_952 = tpu.memref_slice %arg10[%dma_start3A_951] : memref<8016xf32, #tpu.memory_space<vmem>> -> memref<8000xf32, #tpu.memory_space<vmem>>
        %dma_start3A_953 = tpu.memref_slice %arg4[%add3A_935] : memref<16384000xf32, #tpu.memory_space<hbm>> -> memref<8000xf32, #tpu.memory_space<hbm>>
        tpu.enqueue_dma source(%dma_start3A_953 : memref<8000xf32, #tpu.memory_space<hbm>>) target(%dma_start3A_952 : memref<8000xf32, #tpu.memory_space<vmem>>) target_semaphore(%arg17 : memref<!tpu.dma_semaphore, #tpu.memory_space<semaphore_mem>>)
      } else {
      }
      %add3A_485 = arith.constant 1 : i32
      %add3A_486 = arith.addi %mul3A_53, %add3A_485 : i32
      %mul3A_487 = arith.constant 8000 : i32
      %mul3A_488 = arith.muli %add3A_486, %mul3A_487 : i32
      %add3A_489 = arith.addi %mul3A_2, %mul3A_488 : i32
      %dma_wait3A_490 = arith.constant 0 : i32
      %dma_wait3A_491 = tpu.memref_slice %arg7[%dma_wait3A_490] : memref<8016xf32, #tpu.memory_space<vmem>> -> memref<8000xf32, #tpu.memory_space<vmem>>
      %dma_wait3A_492 = tpu.memref_slice %arg2[%add3A_489] : memref<16384000xf32, #tpu.memory_space<hbm>> -> memref<8000xf32, #tpu.memory_space<hbm>>
      %dma_wait3A_493 = arith.constant 0 : i32
      %dma_wait3A_494 = tpu.memref_slice %arg7[%dma_wait3A_493] : memref<8016xf32, #tpu.memory_space<vmem>> -> memref<8000xf32, #tpu.memory_space<vmem>>
      %dma_wait3A_495 = tpu.memref_slice %arg2[%add3A_489] : memref<16384000xf32, #tpu.memory_space<hbm>> -> memref<8000xf32, #tpu.memory_space<hbm>>
      tpu.wait_dma2 semaphore(%arg14 : memref<!tpu.dma_semaphore, #tpu.memory_space<semaphore_mem>>) src(%dma_wait3A_495 : memref<8000xf32, #tpu.memory_space<hbm>>) dst(%dma_wait3A_494 : memref<8000xf32, #tpu.memory_space<vmem>>)
      %dma_wait3A_496 = arith.constant 0 : i32
      %dma_wait3A_497 = tpu.memref_slice %arg9[%dma_wait3A_496] : memref<8016xi32, #tpu.memory_space<vmem>> -> memref<8000xi32, #tpu.memory_space<vmem>>
      %dma_wait3A_498 = tpu.memref_slice %arg3[%add3A_489] : memref<16384000xi32, #tpu.memory_space<hbm>> -> memref<8000xi32, #tpu.memory_space<hbm>>
      %dma_wait3A_499 = arith.constant 0 : i32
      %dma_wait3A_500 = tpu.memref_slice %arg9[%dma_wait3A_499] : memref<8016xi32, #tpu.memory_space<vmem>> -> memref<8000xi32, #tpu.memory_space<vmem>>
      %dma_wait3A_501 = tpu.memref_slice %arg3[%add3A_489] : memref<16384000xi32, #tpu.memory_space<hbm>> -> memref<8000xi32, #tpu.memory_space<hbm>>
      tpu.wait_dma2 semaphore(%arg16 : memref<!tpu.dma_semaphore, #tpu.memory_space<semaphore_mem>>) src(%dma_wait3A_501 : memref<8000xi32, #tpu.memory_space<hbm>>) dst(%dma_wait3A_500 : memref<8000xi32, #tpu.memory_space<vmem>>)
      %dma_wait3A_502 = arith.constant 0 : i32
      %dma_wait3A_503 = tpu.memref_slice %arg11[%dma_wait3A_502] : memref<8016xf32, #tpu.memory_space<vmem>> -> memref<8000xf32, #tpu.memory_space<vmem>>
      %dma_wait3A_504 = tpu.memref_slice %arg4[%add3A_489] : memref<16384000xf32, #tpu.memory_space<hbm>> -> memref<8000xf32, #tpu.memory_space<hbm>>
      %dma_wait3A_505 = arith.constant 0 : i32
      %dma_wait3A_506 = tpu.memref_slice %arg11[%dma_wait3A_505] : memref<8016xf32, #tpu.memory_space<vmem>> -> memref<8000xf32, #tpu.memory_space<vmem>>
      %dma_wait3A_507 = tpu.memref_slice %arg4[%add3A_489] : memref<16384000xf32, #tpu.memory_space<hbm>> -> memref<8000xf32, #tpu.memory_space<hbm>>
      tpu.wait_dma2 semaphore(%arg18 : memref<!tpu.dma_semaphore, #tpu.memory_space<semaphore_mem>>) src(%dma_wait3A_507 : memref<8000xf32, #tpu.memory_space<hbm>>) dst(%dma_wait3A_506 : memref<8000xf32, #tpu.memory_space<vmem>>)
      %broadcast_in_dim3A_508 = arith.constant 0.000000e+00 : f32
      %broadcast_in_dim3A_509 = vector.broadcast %broadcast_in_dim3A_508 : f32 to vector<16xf32>
      %scan3A_510 = arith.constant 0 : i32
      %scan3A_511 = arith.constant 62 : i32
      %scan3A_512 = arith.addi %scan3A_510, %scan3A_511 : i32
      %scan3A_513 = arith.constant 1 : i32
      %scan3A_514:2 = scf.for %scan3A_931 = %scan3A_510 to %scan3A_512 step %scan3A_513 iter_args(%scan3A_932 = %broadcast_in_dim3A_509, %scan3A_933 = %broadcast_in_dim3A_509) -> (vector<16xf32>, vector<16xf32>)  : i32 {
        %mul3A_934 = arith.constant 16 : i32
        %mul3A_935 = arith.muli %scan3A_931, %mul3A_934 : i32
        %add3A_936 = arith.constant 0 : i32
        %add3A_937 = arith.addi %add3A_936, %mul3A_935 : i32
        %add3A_938 = vector.broadcast %add3A_937 : i32 to vector<16xi32>
        %add3A_939 = arith.addi %iota3A, %add3A_938 : vector<16xi32>
        %gather3A_940 = tpu.vector_load_idx %arg7[%add3A_939] : memref<8016xf32, #tpu.memory_space<vmem>>[vector<16xi32>], vector<16xf32>,
        %gather3A_941 = tpu.vector_load_idx %arg9[%add3A_939] : memref<8016xi32, #tpu.memory_space<vmem>>[vector<16xi32>], vector<16xi32>,
        %add3A_942 = arith.constant 0 : i32
        %add3A_943 = vector.broadcast %add3A_942 : i32 to vector<16xi32>
        %add3A_944 = arith.addi %gather3A_941, %add3A_943 : vector<16xi32>
        %gather3A_945 = tpu.vector_load_idx %arg11[%add3A_944] : memref<8016xf32, #tpu.memory_space<vmem>>[vector<16xi32>], vector<16xf32>,
        %exp3A_946 = math.exp %gather3A_940 : vector<16xf32>
        %mul3A_947 = arith.mulf %exp3A_946, %gather3A_945 : vector<16xf32>
        %add3A_948 = arith.addf %scan3A_932, %mul3A_947 : vector<16xf32>
        %add3A_949 = arith.addf %scan3A_933, %exp3A_946 : vector<16xf32>
        scf.yield %add3A_948, %add3A_949 : vector<16xf32>, vector<16xf32>
      }
      %scan3A_515 = arith.constant 62 : i32
      %add3A_516 = arith.constant 992 : i32
      %add3A_517 = vector.broadcast %add3A_516 : i32 to vector<16xi32>
      %add3A_518 = arith.addi %iota3A, %add3A_517 : vector<16xi32>
      %gather3A_519 = tpu.vector_load_idx %arg7[%add3A_518] : memref<8016xf32, #tpu.memory_space<vmem>>[vector<16xi32>], vector<16xf32>,
      %gather3A_520 = tpu.vector_load_idx %arg9[%add3A_518] : memref<8016xi32, #tpu.memory_space<vmem>>[vector<16xi32>], vector<16xi32>,
      %jit3A_521 = arith.constant 0 : i32
      %broadcast_in_dim3A_522 = vector.broadcast %jit3A_521 : i32 to vector<16xi32>
      %select_n3A_523 = arith.select %lt3A_4, %gather3A_520, %broadcast_in_dim3A_522 : vector<16xi1>, vector<16xi32>
      %add3A_524 = arith.constant 0 : i32
      %add3A_525 = vector.broadcast %add3A_524 : i32 to vector<16xi32>
      %add3A_526 = arith.addi %select_n3A_523, %add3A_525 : vector<16xi32>
      %gather3A_527 = tpu.vector_load_idx %arg11[%add3A_526] : memref<8016xf32, #tpu.memory_space<vmem>>[vector<16xi32>], vector<16xf32>,
      %exp3A_528 = math.exp %gather3A_519 : vector<16xf32>
      %jit3A_529 = arith.constant 0.000000e+00 : f32
      %broadcast_in_dim3A_530 = vector.broadcast %jit3A_529 : f32 to vector<16xf32>
      %select_n3A_531 = arith.select %lt3A_4, %exp3A_528, %broadcast_in_dim3A_530 : vector<16xi1>, vector<16xf32>
      %mul3A_532 = arith.mulf %select_n3A_531, %gather3A_527 : vector<16xf32>
      %add3A_533 = arith.addf %scan3A_514#0, %mul3A_532 : vector<16xf32>
      %add3A_534 = arith.addf %scan3A_514#1, %select_n3A_531 : vector<16xf32>
      %reduce_sum3A_535 = arith.constant true
      %reduce_sum3A_536 = vector.broadcast %reduce_sum3A_535 : i1 to vector<16xi1>
      %reduce_sum3A_537 = tpu.scan <sum>, %add3A_533 masked %reduce_sum3A_536 : vector<16xf32>, vector<16xi1> -> vector<16xf32>
      %reduce_sum3A_538 = vector.extract %reduce_sum3A_537[15] : f32 from vector<16xf32>
      %broadcast_in_dim3A_539 = vector.broadcast %reduce_sum3A_538 : f32 to vector<16xf32>
      %reduce_sum3A_540 = arith.constant true
      %reduce_sum3A_541 = vector.broadcast %reduce_sum3A_540 : i1 to vector<16xi1>
      %reduce_sum3A_542 = tpu.scan <sum>, %add3A_534 masked %reduce_sum3A_541 : vector<16xf32>, vector<16xi1> -> vector<16xf32>
      %reduce_sum3A_543 = vector.extract %reduce_sum3A_542[15] : f32 from vector<16xf32>
      %broadcast_in_dim3A_544 = vector.broadcast %reduce_sum3A_543 : f32 to vector<16xf32>
      %div3A_545 = arith.divf %broadcast_in_dim3A_539, %broadcast_in_dim3A_544 : vector<16xf32>
      %jit3A_546 = arith.constant 0.000000e+00 : f32
      %jit3A_547 = arith.constant 1.000000e+00 : f32
      %max3A_548 = vector.broadcast %jit3A_546 : f32 to vector<16xf32>
      %max3A_549 = arith.maximumf %max3A_548, %div3A_545 : vector<16xf32>
      %min3A_550 = vector.broadcast %jit3A_547 : f32 to vector<16xf32>
      %min3A_551 = arith.minimumf %min3A_550, %max3A_549 : vector<16xf32>
      %mul3A_552 = arith.constant 8 : i32
      %mul3A_553 = arith.muli %add3A_486, %mul3A_552 : i32
      %add3A_554 = arith.constant 0 : i32
      %add3A_555 = arith.addi %mul3A_553, %add3A_554 : i32
      %broadcast_in_dim3A_556 = vector.broadcast %add3A_555 : i32 to vector<16xi32>
      %eq3A_557 = arith.constant 0 : i32
      %eq3A_558 = vector.broadcast %eq3A_557 : i32 to vector<16xi32>
      %eq3A_559 = arith.cmpi eq, %iota3A, %eq3A_558 : vector<16xi32>
      tpu.vector_store_idx %arg12[%broadcast_in_dim3A_556], %min3A_551 masked %eq3A_559 : memref<512xf32, #tpu.memory_space<vmem>>[vector<16xi32>], vector<16xf32>, vector<16xi1>
      %broadcast_in_dim3A_560 = arith.constant 0.000000e+00 : f32
      %broadcast_in_dim3A_561 = vector.broadcast %broadcast_in_dim3A_560 : f32 to vector<16xf32>
      %scan3A_562 = arith.constant 0 : i32
      %scan3A_563 = arith.constant 62 : i32
      %scan3A_564 = arith.addi %scan3A_562, %scan3A_563 : i32
      %scan3A_565 = arith.constant 1 : i32
      %scan3A_566:2 = scf.for %scan3A_931 = %scan3A_562 to %scan3A_564 step %scan3A_565 iter_args(%scan3A_932 = %broadcast_in_dim3A_561, %scan3A_933 = %broadcast_in_dim3A_561) -> (vector<16xf32>, vector<16xf32>)  : i32 {
        %mul3A_934 = arith.constant 16 : i32
        %mul3A_935 = arith.muli %scan3A_931, %mul3A_934 : i32
        %add3A_936 = arith.constant 1000 : i32
        %add3A_937 = arith.addi %add3A_936, %mul3A_935 : i32
        %add3A_938 = vector.broadcast %add3A_937 : i32 to vector<16xi32>
        %add3A_939 = arith.addi %iota3A, %add3A_938 : vector<16xi32>
        %gather3A_940 = tpu.vector_load_idx %arg7[%add3A_939] : memref<8016xf32, #tpu.memory_space<vmem>>[vector<16xi32>], vector<16xf32>,
        %gather3A_941 = tpu.vector_load_idx %arg9[%add3A_939] : memref<8016xi32, #tpu.memory_space<vmem>>[vector<16xi32>], vector<16xi32>,
        %add3A_942 = arith.constant 1000 : i32
        %add3A_943 = vector.broadcast %add3A_942 : i32 to vector<16xi32>
        %add3A_944 = arith.addi %gather3A_941, %add3A_943 : vector<16xi32>
        %gather3A_945 = tpu.vector_load_idx %arg11[%add3A_944] : memref<8016xf32, #tpu.memory_space<vmem>>[vector<16xi32>], vector<16xf32>,
        %exp3A_946 = math.exp %gather3A_940 : vector<16xf32>
        %mul3A_947 = arith.mulf %exp3A_946, %gather3A_945 : vector<16xf32>
        %add3A_948 = arith.addf %scan3A_932, %mul3A_947 : vector<16xf32>
        %add3A_949 = arith.addf %scan3A_933, %exp3A_946 : vector<16xf32>
        scf.yield %add3A_948, %add3A_949 : vector<16xf32>, vector<16xf32>
      }
      %scan3A_567 = arith.constant 62 : i32
      %add3A_568 = arith.constant 1992 : i32
      %add3A_569 = vector.broadcast %add3A_568 : i32 to vector<16xi32>
      %add3A_570 = arith.addi %iota3A, %add3A_569 : vector<16xi32>
      %gather3A_571 = tpu.vector_load_idx %arg7[%add3A_570] : memref<8016xf32, #tpu.memory_space<vmem>>[vector<16xi32>], vector<16xf32>,
      %gather3A_572 = tpu.vector_load_idx %arg9[%add3A_570] : memref<8016xi32, #tpu.memory_space<vmem>>[vector<16xi32>], vector<16xi32>,
      %jit3A_573 = arith.constant 0 : i32
      %broadcast_in_dim3A_574 = vector.broadcast %jit3A_573 : i32 to vector<16xi32>
      %select_n3A_575 = arith.select %lt3A_4, %gather3A_572, %broadcast_in_dim3A_574 : vector<16xi1>, vector<16xi32>
      %add3A_576 = arith.constant 1000 : i32
      %add3A_577 = vector.broadcast %add3A_576 : i32 to vector<16xi32>
      %add3A_578 = arith.addi %select_n3A_575, %add3A_577 : vector<16xi32>
      %gather3A_579 = tpu.vector_load_idx %arg11[%add3A_578] : memref<8016xf32, #tpu.memory_space<vmem>>[vector<16xi32>], vector<16xf32>,
      %exp3A_580 = math.exp %gather3A_571 : vector<16xf32>
      %jit3A_581 = arith.constant 0.000000e+00 : f32
      %broadcast_in_dim3A_582 = vector.broadcast %jit3A_581 : f32 to vector<16xf32>
      %select_n3A_583 = arith.select %lt3A_4, %exp3A_580, %broadcast_in_dim3A_582 : vector<16xi1>, vector<16xf32>
      %mul3A_584 = arith.mulf %select_n3A_583, %gather3A_579 : vector<16xf32>
      %add3A_585 = arith.addf %scan3A_566#0, %mul3A_584 : vector<16xf32>
      %add3A_586 = arith.addf %scan3A_566#1, %select_n3A_583 : vector<16xf32>
      %reduce_sum3A_587 = arith.constant true
      %reduce_sum3A_588 = vector.broadcast %reduce_sum3A_587 : i1 to vector<16xi1>
      %reduce_sum3A_589 = tpu.scan <sum>, %add3A_585 masked %reduce_sum3A_588 : vector<16xf32>, vector<16xi1> -> vector<16xf32>
      %reduce_sum3A_590 = vector.extract %reduce_sum3A_589[15] : f32 from vector<16xf32>
      %broadcast_in_dim3A_591 = vector.broadcast %reduce_sum3A_590 : f32 to vector<16xf32>
      %reduce_sum3A_592 = arith.constant true
      %reduce_sum3A_593 = vector.broadcast %reduce_sum3A_592 : i1 to vector<16xi1>
      %reduce_sum3A_594 = tpu.scan <sum>, %add3A_586 masked %reduce_sum3A_593 : vector<16xf32>, vector<16xi1> -> vector<16xf32>
      %reduce_sum3A_595 = vector.extract %reduce_sum3A_594[15] : f32 from vector<16xf32>
      %broadcast_in_dim3A_596 = vector.broadcast %reduce_sum3A_595 : f32 to vector<16xf32>
      %div3A_597 = arith.divf %broadcast_in_dim3A_591, %broadcast_in_dim3A_596 : vector<16xf32>
      %jit3A_598 = arith.constant 0.000000e+00 : f32
      %jit3A_599 = arith.constant 1.000000e+00 : f32
      %max3A_600 = vector.broadcast %jit3A_598 : f32 to vector<16xf32>
      %max3A_601 = arith.maximumf %max3A_600, %div3A_597 : vector<16xf32>
      %min3A_602 = vector.broadcast %jit3A_599 : f32 to vector<16xf32>
      %min3A_603 = arith.minimumf %min3A_602, %max3A_601 : vector<16xf32>
      %mul3A_604 = arith.constant 8 : i32
      %mul3A_605 = arith.muli %add3A_486, %mul3A_604 : i32
      %add3A_606 = arith.constant 1 : i32
      %add3A_607 = arith.addi %mul3A_605, %add3A_606 : i32
      %broadcast_in_dim3A_608 = vector.broadcast %add3A_607 : i32 to vector<16xi32>
      %eq3A_609 = arith.constant 0 : i32
      %eq3A_610 = vector.broadcast %eq3A_609 : i32 to vector<16xi32>
      %eq3A_611 = arith.cmpi eq, %iota3A, %eq3A_610 : vector<16xi32>
      tpu.vector_store_idx %arg12[%broadcast_in_dim3A_608], %min3A_603 masked %eq3A_611 : memref<512xf32, #tpu.memory_space<vmem>>[vector<16xi32>], vector<16xf32>, vector<16xi1>
      %broadcast_in_dim3A_612 = arith.constant 0.000000e+00 : f32
      %broadcast_in_dim3A_613 = vector.broadcast %broadcast_in_dim3A_612 : f32 to vector<16xf32>
      %scan3A_614 = arith.constant 0 : i32
      %scan3A_615 = arith.constant 62 : i32
      %scan3A_616 = arith.addi %scan3A_614, %scan3A_615 : i32
      %scan3A_617 = arith.constant 1 : i32
      %scan3A_618:2 = scf.for %scan3A_931 = %scan3A_614 to %scan3A_616 step %scan3A_617 iter_args(%scan3A_932 = %broadcast_in_dim3A_613, %scan3A_933 = %broadcast_in_dim3A_613) -> (vector<16xf32>, vector<16xf32>)  : i32 {
        %mul3A_934 = arith.constant 16 : i32
        %mul3A_935 = arith.muli %scan3A_931, %mul3A_934 : i32
        %add3A_936 = arith.constant 2000 : i32
        %add3A_937 = arith.addi %add3A_936, %mul3A_935 : i32
        %add3A_938 = vector.broadcast %add3A_937 : i32 to vector<16xi32>
        %add3A_939 = arith.addi %iota3A, %add3A_938 : vector<16xi32>
        %gather3A_940 = tpu.vector_load_idx %arg7[%add3A_939] : memref<8016xf32, #tpu.memory_space<vmem>>[vector<16xi32>], vector<16xf32>,
        %gather3A_941 = tpu.vector_load_idx %arg9[%add3A_939] : memref<8016xi32, #tpu.memory_space<vmem>>[vector<16xi32>], vector<16xi32>,
        %add3A_942 = arith.constant 2000 : i32
        %add3A_943 = vector.broadcast %add3A_942 : i32 to vector<16xi32>
        %add3A_944 = arith.addi %gather3A_941, %add3A_943 : vector<16xi32>
        %gather3A_945 = tpu.vector_load_idx %arg11[%add3A_944] : memref<8016xf32, #tpu.memory_space<vmem>>[vector<16xi32>], vector<16xf32>,
        %exp3A_946 = math.exp %gather3A_940 : vector<16xf32>
        %mul3A_947 = arith.mulf %exp3A_946, %gather3A_945 : vector<16xf32>
        %add3A_948 = arith.addf %scan3A_932, %mul3A_947 : vector<16xf32>
        %add3A_949 = arith.addf %scan3A_933, %exp3A_946 : vector<16xf32>
        scf.yield %add3A_948, %add3A_949 : vector<16xf32>, vector<16xf32>
      }
      %scan3A_619 = arith.constant 62 : i32
      %add3A_620 = arith.constant 2992 : i32
      %add3A_621 = vector.broadcast %add3A_620 : i32 to vector<16xi32>
      %add3A_622 = arith.addi %iota3A, %add3A_621 : vector<16xi32>
      %gather3A_623 = tpu.vector_load_idx %arg7[%add3A_622] : memref<8016xf32, #tpu.memory_space<vmem>>[vector<16xi32>], vector<16xf32>,
      %gather3A_624 = tpu.vector_load_idx %arg9[%add3A_622] : memref<8016xi32, #tpu.memory_space<vmem>>[vector<16xi32>], vector<16xi32>,
      %jit3A_625 = arith.constant 0 : i32
      %broadcast_in_dim3A_626 = vector.broadcast %jit3A_625 : i32 to vector<16xi32>
      %select_n3A_627 = arith.select %lt3A_4, %gather3A_624, %broadcast_in_dim3A_626 : vector<16xi1>, vector<16xi32>
      %add3A_628 = arith.constant 2000 : i32
      %add3A_629 = vector.broadcast %add3A_628 : i32 to vector<16xi32>
      %add3A_630 = arith.addi %select_n3A_627, %add3A_629 : vector<16xi32>
      %gather3A_631 = tpu.vector_load_idx %arg11[%add3A_630] : memref<8016xf32, #tpu.memory_space<vmem>>[vector<16xi32>], vector<16xf32>,
      %exp3A_632 = math.exp %gather3A_623 : vector<16xf32>
      %jit3A_633 = arith.constant 0.000000e+00 : f32
      %broadcast_in_dim3A_634 = vector.broadcast %jit3A_633 : f32 to vector<16xf32>
      %select_n3A_635 = arith.select %lt3A_4, %exp3A_632, %broadcast_in_dim3A_634 : vector<16xi1>, vector<16xf32>
      %mul3A_636 = arith.mulf %select_n3A_635, %gather3A_631 : vector<16xf32>
      %add3A_637 = arith.addf %scan3A_618#0, %mul3A_636 : vector<16xf32>
      %add3A_638 = arith.addf %scan3A_618#1, %select_n3A_635 : vector<16xf32>
      %reduce_sum3A_639 = arith.constant true
      %reduce_sum3A_640 = vector.broadcast %reduce_sum3A_639 : i1 to vector<16xi1>
      %reduce_sum3A_641 = tpu.scan <sum>, %add3A_637 masked %reduce_sum3A_640 : vector<16xf32>, vector<16xi1> -> vector<16xf32>
      %reduce_sum3A_642 = vector.extract %reduce_sum3A_641[15] : f32 from vector<16xf32>
      %broadcast_in_dim3A_643 = vector.broadcast %reduce_sum3A_642 : f32 to vector<16xf32>
      %reduce_sum3A_644 = arith.constant true
      %reduce_sum3A_645 = vector.broadcast %reduce_sum3A_644 : i1 to vector<16xi1>
      %reduce_sum3A_646 = tpu.scan <sum>, %add3A_638 masked %reduce_sum3A_645 : vector<16xf32>, vector<16xi1> -> vector<16xf32>
      %reduce_sum3A_647 = vector.extract %reduce_sum3A_646[15] : f32 from vector<16xf32>
      %broadcast_in_dim3A_648 = vector.broadcast %reduce_sum3A_647 : f32 to vector<16xf32>
      %div3A_649 = arith.divf %broadcast_in_dim3A_643, %broadcast_in_dim3A_648 : vector<16xf32>
      %jit3A_650 = arith.constant 0.000000e+00 : f32
      %jit3A_651 = arith.constant 1.000000e+00 : f32
      %max3A_652 = vector.broadcast %jit3A_650 : f32 to vector<16xf32>
      %max3A_653 = arith.maximumf %max3A_652, %div3A_649 : vector<16xf32>
      %min3A_654 = vector.broadcast %jit3A_651 : f32 to vector<16xf32>
      %min3A_655 = arith.minimumf %min3A_654, %max3A_653 : vector<16xf32>
      %mul3A_656 = arith.constant 8 : i32
      %mul3A_657 = arith.muli %add3A_486, %mul3A_656 : i32
      %add3A_658 = arith.constant 2 : i32
      %add3A_659 = arith.addi %mul3A_657, %add3A_658 : i32
      %broadcast_in_dim3A_660 = vector.broadcast %add3A_659 : i32 to vector<16xi32>
      %eq3A_661 = arith.constant 0 : i32
      %eq3A_662 = vector.broadcast %eq3A_661 : i32 to vector<16xi32>
      %eq3A_663 = arith.cmpi eq, %iota3A, %eq3A_662 : vector<16xi32>
      tpu.vector_store_idx %arg12[%broadcast_in_dim3A_660], %min3A_655 masked %eq3A_663 : memref<512xf32, #tpu.memory_space<vmem>>[vector<16xi32>], vector<16xf32>, vector<16xi1>
      %broadcast_in_dim3A_664 = arith.constant 0.000000e+00 : f32
      %broadcast_in_dim3A_665 = vector.broadcast %broadcast_in_dim3A_664 : f32 to vector<16xf32>
      %scan3A_666 = arith.constant 0 : i32
      %scan3A_667 = arith.constant 62 : i32
      %scan3A_668 = arith.addi %scan3A_666, %scan3A_667 : i32
      %scan3A_669 = arith.constant 1 : i32
      %scan3A_670:2 = scf.for %scan3A_931 = %scan3A_666 to %scan3A_668 step %scan3A_669 iter_args(%scan3A_932 = %broadcast_in_dim3A_665, %scan3A_933 = %broadcast_in_dim3A_665) -> (vector<16xf32>, vector<16xf32>)  : i32 {
        %mul3A_934 = arith.constant 16 : i32
        %mul3A_935 = arith.muli %scan3A_931, %mul3A_934 : i32
        %add3A_936 = arith.constant 3000 : i32
        %add3A_937 = arith.addi %add3A_936, %mul3A_935 : i32
        %add3A_938 = vector.broadcast %add3A_937 : i32 to vector<16xi32>
        %add3A_939 = arith.addi %iota3A, %add3A_938 : vector<16xi32>
        %gather3A_940 = tpu.vector_load_idx %arg7[%add3A_939] : memref<8016xf32, #tpu.memory_space<vmem>>[vector<16xi32>], vector<16xf32>,
        %gather3A_941 = tpu.vector_load_idx %arg9[%add3A_939] : memref<8016xi32, #tpu.memory_space<vmem>>[vector<16xi32>], vector<16xi32>,
        %add3A_942 = arith.constant 3000 : i32
        %add3A_943 = vector.broadcast %add3A_942 : i32 to vector<16xi32>
        %add3A_944 = arith.addi %gather3A_941, %add3A_943 : vector<16xi32>
        %gather3A_945 = tpu.vector_load_idx %arg11[%add3A_944] : memref<8016xf32, #tpu.memory_space<vmem>>[vector<16xi32>], vector<16xf32>,
        %exp3A_946 = math.exp %gather3A_940 : vector<16xf32>
        %mul3A_947 = arith.mulf %exp3A_946, %gather3A_945 : vector<16xf32>
        %add3A_948 = arith.addf %scan3A_932, %mul3A_947 : vector<16xf32>
        %add3A_949 = arith.addf %scan3A_933, %exp3A_946 : vector<16xf32>
        scf.yield %add3A_948, %add3A_949 : vector<16xf32>, vector<16xf32>
      }
      %scan3A_671 = arith.constant 62 : i32
      %add3A_672 = arith.constant 3992 : i32
      %add3A_673 = vector.broadcast %add3A_672 : i32 to vector<16xi32>
      %add3A_674 = arith.addi %iota3A, %add3A_673 : vector<16xi32>
      %gather3A_675 = tpu.vector_load_idx %arg7[%add3A_674] : memref<8016xf32, #tpu.memory_space<vmem>>[vector<16xi32>], vector<16xf32>,
      %gather3A_676 = tpu.vector_load_idx %arg9[%add3A_674] : memref<8016xi32, #tpu.memory_space<vmem>>[vector<16xi32>], vector<16xi32>,
      %jit3A_677 = arith.constant 0 : i32
      %broadcast_in_dim3A_678 = vector.broadcast %jit3A_677 : i32 to vector<16xi32>
      %select_n3A_679 = arith.select %lt3A_4, %gather3A_676, %broadcast_in_dim3A_678 : vector<16xi1>, vector<16xi32>
      %add3A_680 = arith.constant 3000 : i32
      %add3A_681 = vector.broadcast %add3A_680 : i32 to vector<16xi32>
      %add3A_682 = arith.addi %select_n3A_679, %add3A_681 : vector<16xi32>
      %gather3A_683 = tpu.vector_load_idx %arg11[%add3A_682] : memref<8016xf32, #tpu.memory_space<vmem>>[vector<16xi32>], vector<16xf32>,
      %exp3A_684 = math.exp %gather3A_675 : vector<16xf32>
      %jit3A_685 = arith.constant 0.000000e+00 : f32
      %broadcast_in_dim3A_686 = vector.broadcast %jit3A_685 : f32 to vector<16xf32>
      %select_n3A_687 = arith.select %lt3A_4, %exp3A_684, %broadcast_in_dim3A_686 : vector<16xi1>, vector<16xf32>
      %mul3A_688 = arith.mulf %select_n3A_687, %gather3A_683 : vector<16xf32>
      %add3A_689 = arith.addf %scan3A_670#0, %mul3A_688 : vector<16xf32>
      %add3A_690 = arith.addf %scan3A_670#1, %select_n3A_687 : vector<16xf32>
      %reduce_sum3A_691 = arith.constant true
      %reduce_sum3A_692 = vector.broadcast %reduce_sum3A_691 : i1 to vector<16xi1>
      %reduce_sum3A_693 = tpu.scan <sum>, %add3A_689 masked %reduce_sum3A_692 : vector<16xf32>, vector<16xi1> -> vector<16xf32>
      %reduce_sum3A_694 = vector.extract %reduce_sum3A_693[15] : f32 from vector<16xf32>
      %broadcast_in_dim3A_695 = vector.broadcast %reduce_sum3A_694 : f32 to vector<16xf32>
      %reduce_sum3A_696 = arith.constant true
      %reduce_sum3A_697 = vector.broadcast %reduce_sum3A_696 : i1 to vector<16xi1>
      %reduce_sum3A_698 = tpu.scan <sum>, %add3A_690 masked %reduce_sum3A_697 : vector<16xf32>, vector<16xi1> -> vector<16xf32>
      %reduce_sum3A_699 = vector.extract %reduce_sum3A_698[15] : f32 from vector<16xf32>
      %broadcast_in_dim3A_700 = vector.broadcast %reduce_sum3A_699 : f32 to vector<16xf32>
      %div3A_701 = arith.divf %broadcast_in_dim3A_695, %broadcast_in_dim3A_700 : vector<16xf32>
      %jit3A_702 = arith.constant 0.000000e+00 : f32
      %jit3A_703 = arith.constant 1.000000e+00 : f32
      %max3A_704 = vector.broadcast %jit3A_702 : f32 to vector<16xf32>
      %max3A_705 = arith.maximumf %max3A_704, %div3A_701 : vector<16xf32>
      %min3A_706 = vector.broadcast %jit3A_703 : f32 to vector<16xf32>
      %min3A_707 = arith.minimumf %min3A_706, %max3A_705 : vector<16xf32>
      %mul3A_708 = arith.constant 8 : i32
      %mul3A_709 = arith.muli %add3A_486, %mul3A_708 : i32
      %add3A_710 = arith.constant 3 : i32
      %add3A_711 = arith.addi %mul3A_709, %add3A_710 : i32
      %broadcast_in_dim3A_712 = vector.broadcast %add3A_711 : i32 to vector<16xi32>
      %eq3A_713 = arith.constant 0 : i32
      %eq3A_714 = vector.broadcast %eq3A_713 : i32 to vector<16xi32>
      %eq3A_715 = arith.cmpi eq, %iota3A, %eq3A_714 : vector<16xi32>
      tpu.vector_store_idx %arg12[%broadcast_in_dim3A_712], %min3A_707 masked %eq3A_715 : memref<512xf32, #tpu.memory_space<vmem>>[vector<16xi32>], vector<16xf32>, vector<16xi1>
      %broadcast_in_dim3A_716 = arith.constant 0.000000e+00 : f32
      %broadcast_in_dim3A_717 = vector.broadcast %broadcast_in_dim3A_716 : f32 to vector<16xf32>
      %scan3A_718 = arith.constant 0 : i32
      %scan3A_719 = arith.constant 62 : i32
      %scan3A_720 = arith.addi %scan3A_718, %scan3A_719 : i32
      %scan3A_721 = arith.constant 1 : i32
      %scan3A_722:2 = scf.for %scan3A_931 = %scan3A_718 to %scan3A_720 step %scan3A_721 iter_args(%scan3A_932 = %broadcast_in_dim3A_717, %scan3A_933 = %broadcast_in_dim3A_717) -> (vector<16xf32>, vector<16xf32>)  : i32 {
        %mul3A_934 = arith.constant 16 : i32
        %mul3A_935 = arith.muli %scan3A_931, %mul3A_934 : i32
        %add3A_936 = arith.constant 4000 : i32
        %add3A_937 = arith.addi %add3A_936, %mul3A_935 : i32
        %add3A_938 = vector.broadcast %add3A_937 : i32 to vector<16xi32>
        %add3A_939 = arith.addi %iota3A, %add3A_938 : vector<16xi32>
        %gather3A_940 = tpu.vector_load_idx %arg7[%add3A_939] : memref<8016xf32, #tpu.memory_space<vmem>>[vector<16xi32>], vector<16xf32>,
        %gather3A_941 = tpu.vector_load_idx %arg9[%add3A_939] : memref<8016xi32, #tpu.memory_space<vmem>>[vector<16xi32>], vector<16xi32>,
        %add3A_942 = arith.constant 4000 : i32
        %add3A_943 = vector.broadcast %add3A_942 : i32 to vector<16xi32>
        %add3A_944 = arith.addi %gather3A_941, %add3A_943 : vector<16xi32>
        %gather3A_945 = tpu.vector_load_idx %arg11[%add3A_944] : memref<8016xf32, #tpu.memory_space<vmem>>[vector<16xi32>], vector<16xf32>,
        %exp3A_946 = math.exp %gather3A_940 : vector<16xf32>
        %mul3A_947 = arith.mulf %exp3A_946, %gather3A_945 : vector<16xf32>
        %add3A_948 = arith.addf %scan3A_932, %mul3A_947 : vector<16xf32>
        %add3A_949 = arith.addf %scan3A_933, %exp3A_946 : vector<16xf32>
        scf.yield %add3A_948, %add3A_949 : vector<16xf32>, vector<16xf32>
      }
      %scan3A_723 = arith.constant 62 : i32
      %add3A_724 = arith.constant 4992 : i32
      %add3A_725 = vector.broadcast %add3A_724 : i32 to vector<16xi32>
      %add3A_726 = arith.addi %iota3A, %add3A_725 : vector<16xi32>
      %gather3A_727 = tpu.vector_load_idx %arg7[%add3A_726] : memref<8016xf32, #tpu.memory_space<vmem>>[vector<16xi32>], vector<16xf32>,
      %gather3A_728 = tpu.vector_load_idx %arg9[%add3A_726] : memref<8016xi32, #tpu.memory_space<vmem>>[vector<16xi32>], vector<16xi32>,
      %jit3A_729 = arith.constant 0 : i32
      %broadcast_in_dim3A_730 = vector.broadcast %jit3A_729 : i32 to vector<16xi32>
      %select_n3A_731 = arith.select %lt3A_4, %gather3A_728, %broadcast_in_dim3A_730 : vector<16xi1>, vector<16xi32>
      %add3A_732 = arith.constant 4000 : i32
      %add3A_733 = vector.broadcast %add3A_732 : i32 to vector<16xi32>
      %add3A_734 = arith.addi %select_n3A_731, %add3A_733 : vector<16xi32>
      %gather3A_735 = tpu.vector_load_idx %arg11[%add3A_734] : memref<8016xf32, #tpu.memory_space<vmem>>[vector<16xi32>], vector<16xf32>,
      %exp3A_736 = math.exp %gather3A_727 : vector<16xf32>
      %jit3A_737 = arith.constant 0.000000e+00 : f32
      %broadcast_in_dim3A_738 = vector.broadcast %jit3A_737 : f32 to vector<16xf32>
      %select_n3A_739 = arith.select %lt3A_4, %exp3A_736, %broadcast_in_dim3A_738 : vector<16xi1>, vector<16xf32>
      %mul3A_740 = arith.mulf %select_n3A_739, %gather3A_735 : vector<16xf32>
      %add3A_741 = arith.addf %scan3A_722#0, %mul3A_740 : vector<16xf32>
      %add3A_742 = arith.addf %scan3A_722#1, %select_n3A_739 : vector<16xf32>
      %reduce_sum3A_743 = arith.constant true
      %reduce_sum3A_744 = vector.broadcast %reduce_sum3A_743 : i1 to vector<16xi1>
      %reduce_sum3A_745 = tpu.scan <sum>, %add3A_741 masked %reduce_sum3A_744 : vector<16xf32>, vector<16xi1> -> vector<16xf32>
      %reduce_sum3A_746 = vector.extract %reduce_sum3A_745[15] : f32 from vector<16xf32>
      %broadcast_in_dim3A_747 = vector.broadcast %reduce_sum3A_746 : f32 to vector<16xf32>
      %reduce_sum3A_748 = arith.constant true
      %reduce_sum3A_749 = vector.broadcast %reduce_sum3A_748 : i1 to vector<16xi1>
      %reduce_sum3A_750 = tpu.scan <sum>, %add3A_742 masked %reduce_sum3A_749 : vector<16xf32>, vector<16xi1> -> vector<16xf32>
      %reduce_sum3A_751 = vector.extract %reduce_sum3A_750[15] : f32 from vector<16xf32>
      %broadcast_in_dim3A_752 = vector.broadcast %reduce_sum3A_751 : f32 to vector<16xf32>
      %div3A_753 = arith.divf %broadcast_in_dim3A_747, %broadcast_in_dim3A_752 : vector<16xf32>
      %jit3A_754 = arith.constant 0.000000e+00 : f32
      %jit3A_755 = arith.constant 1.000000e+00 : f32
      %max3A_756 = vector.broadcast %jit3A_754 : f32 to vector<16xf32>
      %max3A_757 = arith.maximumf %max3A_756, %div3A_753 : vector<16xf32>
      %min3A_758 = vector.broadcast %jit3A_755 : f32 to vector<16xf32>
      %min3A_759 = arith.minimumf %min3A_758, %max3A_757 : vector<16xf32>
      %mul3A_760 = arith.constant 8 : i32
      %mul3A_761 = arith.muli %add3A_486, %mul3A_760 : i32
      %add3A_762 = arith.constant 4 : i32
      %add3A_763 = arith.addi %mul3A_761, %add3A_762 : i32
      %broadcast_in_dim3A_764 = vector.broadcast %add3A_763 : i32 to vector<16xi32>
      %eq3A_765 = arith.constant 0 : i32
      %eq3A_766 = vector.broadcast %eq3A_765 : i32 to vector<16xi32>
      %eq3A_767 = arith.cmpi eq, %iota3A, %eq3A_766 : vector<16xi32>
      tpu.vector_store_idx %arg12[%broadcast_in_dim3A_764], %min3A_759 masked %eq3A_767 : memref<512xf32, #tpu.memory_space<vmem>>[vector<16xi32>], vector<16xf32>, vector<16xi1>
      %broadcast_in_dim3A_768 = arith.constant 0.000000e+00 : f32
      %broadcast_in_dim3A_769 = vector.broadcast %broadcast_in_dim3A_768 : f32 to vector<16xf32>
      %scan3A_770 = arith.constant 0 : i32
      %scan3A_771 = arith.constant 62 : i32
      %scan3A_772 = arith.addi %scan3A_770, %scan3A_771 : i32
      %scan3A_773 = arith.constant 1 : i32
      %scan3A_774:2 = scf.for %scan3A_931 = %scan3A_770 to %scan3A_772 step %scan3A_773 iter_args(%scan3A_932 = %broadcast_in_dim3A_769, %scan3A_933 = %broadcast_in_dim3A_769) -> (vector<16xf32>, vector<16xf32>)  : i32 {
        %mul3A_934 = arith.constant 16 : i32
        %mul3A_935 = arith.muli %scan3A_931, %mul3A_934 : i32
        %add3A_936 = arith.constant 5000 : i32
        %add3A_937 = arith.addi %add3A_936, %mul3A_935 : i32
        %add3A_938 = vector.broadcast %add3A_937 : i32 to vector<16xi32>
        %add3A_939 = arith.addi %iota3A, %add3A_938 : vector<16xi32>
        %gather3A_940 = tpu.vector_load_idx %arg7[%add3A_939] : memref<8016xf32, #tpu.memory_space<vmem>>[vector<16xi32>], vector<16xf32>,
        %gather3A_941 = tpu.vector_load_idx %arg9[%add3A_939] : memref<8016xi32, #tpu.memory_space<vmem>>[vector<16xi32>], vector<16xi32>,
        %add3A_942 = arith.constant 5000 : i32
        %add3A_943 = vector.broadcast %add3A_942 : i32 to vector<16xi32>
        %add3A_944 = arith.addi %gather3A_941, %add3A_943 : vector<16xi32>
        %gather3A_945 = tpu.vector_load_idx %arg11[%add3A_944] : memref<8016xf32, #tpu.memory_space<vmem>>[vector<16xi32>], vector<16xf32>,
        %exp3A_946 = math.exp %gather3A_940 : vector<16xf32>
        %mul3A_947 = arith.mulf %exp3A_946, %gather3A_945 : vector<16xf32>
        %add3A_948 = arith.addf %scan3A_932, %mul3A_947 : vector<16xf32>
        %add3A_949 = arith.addf %scan3A_933, %exp3A_946 : vector<16xf32>
        scf.yield %add3A_948, %add3A_949 : vector<16xf32>, vector<16xf32>
      }
      %scan3A_775 = arith.constant 62 : i32
      %add3A_776 = arith.constant 5992 : i32
      %add3A_777 = vector.broadcast %add3A_776 : i32 to vector<16xi32>
      %add3A_778 = arith.addi %iota3A, %add3A_777 : vector<16xi32>
      %gather3A_779 = tpu.vector_load_idx %arg7[%add3A_778] : memref<8016xf32, #tpu.memory_space<vmem>>[vector<16xi32>], vector<16xf32>,
      %gather3A_780 = tpu.vector_load_idx %arg9[%add3A_778] : memref<8016xi32, #tpu.memory_space<vmem>>[vector<16xi32>], vector<16xi32>,
      %jit3A_781 = arith.constant 0 : i32
      %broadcast_in_dim3A_782 = vector.broadcast %jit3A_781 : i32 to vector<16xi32>
      %select_n3A_783 = arith.select %lt3A_4, %gather3A_780, %broadcast_in_dim3A_782 : vector<16xi1>, vector<16xi32>
      %add3A_784 = arith.constant 5000 : i32
      %add3A_785 = vector.broadcast %add3A_784 : i32 to vector<16xi32>
      %add3A_786 = arith.addi %select_n3A_783, %add3A_785 : vector<16xi32>
      %gather3A_787 = tpu.vector_load_idx %arg11[%add3A_786] : memref<8016xf32, #tpu.memory_space<vmem>>[vector<16xi32>], vector<16xf32>,
      %exp3A_788 = math.exp %gather3A_779 : vector<16xf32>
      %jit3A_789 = arith.constant 0.000000e+00 : f32
      %broadcast_in_dim3A_790 = vector.broadcast %jit3A_789 : f32 to vector<16xf32>
      %select_n3A_791 = arith.select %lt3A_4, %exp3A_788, %broadcast_in_dim3A_790 : vector<16xi1>, vector<16xf32>
      %mul3A_792 = arith.mulf %select_n3A_791, %gather3A_787 : vector<16xf32>
      %add3A_793 = arith.addf %scan3A_774#0, %mul3A_792 : vector<16xf32>
      %add3A_794 = arith.addf %scan3A_774#1, %select_n3A_791 : vector<16xf32>
      %reduce_sum3A_795 = arith.constant true
      %reduce_sum3A_796 = vector.broadcast %reduce_sum3A_795 : i1 to vector<16xi1>
      %reduce_sum3A_797 = tpu.scan <sum>, %add3A_793 masked %reduce_sum3A_796 : vector<16xf32>, vector<16xi1> -> vector<16xf32>
      %reduce_sum3A_798 = vector.extract %reduce_sum3A_797[15] : f32 from vector<16xf32>
      %broadcast_in_dim3A_799 = vector.broadcast %reduce_sum3A_798 : f32 to vector<16xf32>
      %reduce_sum3A_800 = arith.constant true
      %reduce_sum3A_801 = vector.broadcast %reduce_sum3A_800 : i1 to vector<16xi1>
      %reduce_sum3A_802 = tpu.scan <sum>, %add3A_794 masked %reduce_sum3A_801 : vector<16xf32>, vector<16xi1> -> vector<16xf32>
      %reduce_sum3A_803 = vector.extract %reduce_sum3A_802[15] : f32 from vector<16xf32>
      %broadcast_in_dim3A_804 = vector.broadcast %reduce_sum3A_803 : f32 to vector<16xf32>
      %div3A_805 = arith.divf %broadcast_in_dim3A_799, %broadcast_in_dim3A_804 : vector<16xf32>
      %jit3A_806 = arith.constant 0.000000e+00 : f32
      %jit3A_807 = arith.constant 1.000000e+00 : f32
      %max3A_808 = vector.broadcast %jit3A_806 : f32 to vector<16xf32>
      %max3A_809 = arith.maximumf %max3A_808, %div3A_805 : vector<16xf32>
      %min3A_810 = vector.broadcast %jit3A_807 : f32 to vector<16xf32>
      %min3A_811 = arith.minimumf %min3A_810, %max3A_809 : vector<16xf32>
      %mul3A_812 = arith.constant 8 : i32
      %mul3A_813 = arith.muli %add3A_486, %mul3A_812 : i32
      %add3A_814 = arith.constant 5 : i32
      %add3A_815 = arith.addi %mul3A_813, %add3A_814 : i32
      %broadcast_in_dim3A_816 = vector.broadcast %add3A_815 : i32 to vector<16xi32>
      %eq3A_817 = arith.constant 0 : i32
      %eq3A_818 = vector.broadcast %eq3A_817 : i32 to vector<16xi32>
      %eq3A_819 = arith.cmpi eq, %iota3A, %eq3A_818 : vector<16xi32>
      tpu.vector_store_idx %arg12[%broadcast_in_dim3A_816], %min3A_811 masked %eq3A_819 : memref<512xf32, #tpu.memory_space<vmem>>[vector<16xi32>], vector<16xf32>, vector<16xi1>
      %broadcast_in_dim3A_820 = arith.constant 0.000000e+00 : f32
      %broadcast_in_dim3A_821 = vector.broadcast %broadcast_in_dim3A_820 : f32 to vector<16xf32>
      %scan3A_822 = arith.constant 0 : i32
      %scan3A_823 = arith.constant 62 : i32
      %scan3A_824 = arith.addi %scan3A_822, %scan3A_823 : i32
      %scan3A_825 = arith.constant 1 : i32
      %scan3A_826:2 = scf.for %scan3A_931 = %scan3A_822 to %scan3A_824 step %scan3A_825 iter_args(%scan3A_932 = %broadcast_in_dim3A_821, %scan3A_933 = %broadcast_in_dim3A_821) -> (vector<16xf32>, vector<16xf32>)  : i32 {
        %mul3A_934 = arith.constant 16 : i32
        %mul3A_935 = arith.muli %scan3A_931, %mul3A_934 : i32
        %add3A_936 = arith.constant 6000 : i32
        %add3A_937 = arith.addi %add3A_936, %mul3A_935 : i32
        %add3A_938 = vector.broadcast %add3A_937 : i32 to vector<16xi32>
        %add3A_939 = arith.addi %iota3A, %add3A_938 : vector<16xi32>
        %gather3A_940 = tpu.vector_load_idx %arg7[%add3A_939] : memref<8016xf32, #tpu.memory_space<vmem>>[vector<16xi32>], vector<16xf32>,
        %gather3A_941 = tpu.vector_load_idx %arg9[%add3A_939] : memref<8016xi32, #tpu.memory_space<vmem>>[vector<16xi32>], vector<16xi32>,
        %add3A_942 = arith.constant 6000 : i32
        %add3A_943 = vector.broadcast %add3A_942 : i32 to vector<16xi32>
        %add3A_944 = arith.addi %gather3A_941, %add3A_943 : vector<16xi32>
        %gather3A_945 = tpu.vector_load_idx %arg11[%add3A_944] : memref<8016xf32, #tpu.memory_space<vmem>>[vector<16xi32>], vector<16xf32>,
        %exp3A_946 = math.exp %gather3A_940 : vector<16xf32>
        %mul3A_947 = arith.mulf %exp3A_946, %gather3A_945 : vector<16xf32>
        %add3A_948 = arith.addf %scan3A_932, %mul3A_947 : vector<16xf32>
        %add3A_949 = arith.addf %scan3A_933, %exp3A_946 : vector<16xf32>
        scf.yield %add3A_948, %add3A_949 : vector<16xf32>, vector<16xf32>
      }
      %scan3A_827 = arith.constant 62 : i32
      %add3A_828 = arith.constant 6992 : i32
      %add3A_829 = vector.broadcast %add3A_828 : i32 to vector<16xi32>
      %add3A_830 = arith.addi %iota3A, %add3A_829 : vector<16xi32>
      %gather3A_831 = tpu.vector_load_idx %arg7[%add3A_830] : memref<8016xf32, #tpu.memory_space<vmem>>[vector<16xi32>], vector<16xf32>,
      %gather3A_832 = tpu.vector_load_idx %arg9[%add3A_830] : memref<8016xi32, #tpu.memory_space<vmem>>[vector<16xi32>], vector<16xi32>,
      %jit3A_833 = arith.constant 0 : i32
      %broadcast_in_dim3A_834 = vector.broadcast %jit3A_833 : i32 to vector<16xi32>
      %select_n3A_835 = arith.select %lt3A_4, %gather3A_832, %broadcast_in_dim3A_834 : vector<16xi1>, vector<16xi32>
      %add3A_836 = arith.constant 6000 : i32
      %add3A_837 = vector.broadcast %add3A_836 : i32 to vector<16xi32>
      %add3A_838 = arith.addi %select_n3A_835, %add3A_837 : vector<16xi32>
      %gather3A_839 = tpu.vector_load_idx %arg11[%add3A_838] : memref<8016xf32, #tpu.memory_space<vmem>>[vector<16xi32>], vector<16xf32>,
      %exp3A_840 = math.exp %gather3A_831 : vector<16xf32>
      %jit3A_841 = arith.constant 0.000000e+00 : f32
      %broadcast_in_dim3A_842 = vector.broadcast %jit3A_841 : f32 to vector<16xf32>
      %select_n3A_843 = arith.select %lt3A_4, %exp3A_840, %broadcast_in_dim3A_842 : vector<16xi1>, vector<16xf32>
      %mul3A_844 = arith.mulf %select_n3A_843, %gather3A_839 : vector<16xf32>
      %add3A_845 = arith.addf %scan3A_826#0, %mul3A_844 : vector<16xf32>
      %add3A_846 = arith.addf %scan3A_826#1, %select_n3A_843 : vector<16xf32>
      %reduce_sum3A_847 = arith.constant true
      %reduce_sum3A_848 = vector.broadcast %reduce_sum3A_847 : i1 to vector<16xi1>
      %reduce_sum3A_849 = tpu.scan <sum>, %add3A_845 masked %reduce_sum3A_848 : vector<16xf32>, vector<16xi1> -> vector<16xf32>
      %reduce_sum3A_850 = vector.extract %reduce_sum3A_849[15] : f32 from vector<16xf32>
      %broadcast_in_dim3A_851 = vector.broadcast %reduce_sum3A_850 : f32 to vector<16xf32>
      %reduce_sum3A_852 = arith.constant true
      %reduce_sum3A_853 = vector.broadcast %reduce_sum3A_852 : i1 to vector<16xi1>
      %reduce_sum3A_854 = tpu.scan <sum>, %add3A_846 masked %reduce_sum3A_853 : vector<16xf32>, vector<16xi1> -> vector<16xf32>
      %reduce_sum3A_855 = vector.extract %reduce_sum3A_854[15] : f32 from vector<16xf32>
      %broadcast_in_dim3A_856 = vector.broadcast %reduce_sum3A_855 : f32 to vector<16xf32>
      %div3A_857 = arith.divf %broadcast_in_dim3A_851, %broadcast_in_dim3A_856 : vector<16xf32>
      %jit3A_858 = arith.constant 0.000000e+00 : f32
      %jit3A_859 = arith.constant 1.000000e+00 : f32
      %max3A_860 = vector.broadcast %jit3A_858 : f32 to vector<16xf32>
      %max3A_861 = arith.maximumf %max3A_860, %div3A_857 : vector<16xf32>
      %min3A_862 = vector.broadcast %jit3A_859 : f32 to vector<16xf32>
      %min3A_863 = arith.minimumf %min3A_862, %max3A_861 : vector<16xf32>
      %mul3A_864 = arith.constant 8 : i32
      %mul3A_865 = arith.muli %add3A_486, %mul3A_864 : i32
      %add3A_866 = arith.constant 6 : i32
      %add3A_867 = arith.addi %mul3A_865, %add3A_866 : i32
      %broadcast_in_dim3A_868 = vector.broadcast %add3A_867 : i32 to vector<16xi32>
      %eq3A_869 = arith.constant 0 : i32
      %eq3A_870 = vector.broadcast %eq3A_869 : i32 to vector<16xi32>
      %eq3A_871 = arith.cmpi eq, %iota3A, %eq3A_870 : vector<16xi32>
      tpu.vector_store_idx %arg12[%broadcast_in_dim3A_868], %min3A_863 masked %eq3A_871 : memref<512xf32, #tpu.memory_space<vmem>>[vector<16xi32>], vector<16xf32>, vector<16xi1>
      %broadcast_in_dim3A_872 = arith.constant 0.000000e+00 : f32
      %broadcast_in_dim3A_873 = vector.broadcast %broadcast_in_dim3A_872 : f32 to vector<16xf32>
      %scan3A_874 = arith.constant 0 : i32
      %scan3A_875 = arith.constant 62 : i32
      %scan3A_876 = arith.addi %scan3A_874, %scan3A_875 : i32
      %scan3A_877 = arith.constant 1 : i32
      %scan3A_878:2 = scf.for %scan3A_931 = %scan3A_874 to %scan3A_876 step %scan3A_877 iter_args(%scan3A_932 = %broadcast_in_dim3A_873, %scan3A_933 = %broadcast_in_dim3A_873) -> (vector<16xf32>, vector<16xf32>)  : i32 {
        %mul3A_934 = arith.constant 16 : i32
        %mul3A_935 = arith.muli %scan3A_931, %mul3A_934 : i32
        %add3A_936 = arith.constant 7000 : i32
        %add3A_937 = arith.addi %add3A_936, %mul3A_935 : i32
        %add3A_938 = vector.broadcast %add3A_937 : i32 to vector<16xi32>
        %add3A_939 = arith.addi %iota3A, %add3A_938 : vector<16xi32>
        %gather3A_940 = tpu.vector_load_idx %arg7[%add3A_939] : memref<8016xf32, #tpu.memory_space<vmem>>[vector<16xi32>], vector<16xf32>,
        %gather3A_941 = tpu.vector_load_idx %arg9[%add3A_939] : memref<8016xi32, #tpu.memory_space<vmem>>[vector<16xi32>], vector<16xi32>,
        %add3A_942 = arith.constant 7000 : i32
        %add3A_943 = vector.broadcast %add3A_942 : i32 to vector<16xi32>
        %add3A_944 = arith.addi %gather3A_941, %add3A_943 : vector<16xi32>
        %gather3A_945 = tpu.vector_load_idx %arg11[%add3A_944] : memref<8016xf32, #tpu.memory_space<vmem>>[vector<16xi32>], vector<16xf32>,
        %exp3A_946 = math.exp %gather3A_940 : vector<16xf32>
        %mul3A_947 = arith.mulf %exp3A_946, %gather3A_945 : vector<16xf32>
        %add3A_948 = arith.addf %scan3A_932, %mul3A_947 : vector<16xf32>
        %add3A_949 = arith.addf %scan3A_933, %exp3A_946 : vector<16xf32>
        scf.yield %add3A_948, %add3A_949 : vector<16xf32>, vector<16xf32>
      }
      %scan3A_879 = arith.constant 62 : i32
      %add3A_880 = arith.constant 7992 : i32
      %add3A_881 = vector.broadcast %add3A_880 : i32 to vector<16xi32>
      %add3A_882 = arith.addi %iota3A, %add3A_881 : vector<16xi32>
      %gather3A_883 = tpu.vector_load_idx %arg7[%add3A_882] : memref<8016xf32, #tpu.memory_space<vmem>>[vector<16xi32>], vector<16xf32>,
      %gather3A_884 = tpu.vector_load_idx %arg9[%add3A_882] : memref<8016xi32, #tpu.memory_space<vmem>>[vector<16xi32>], vector<16xi32>,
      %jit3A_885 = arith.constant 0 : i32
      %broadcast_in_dim3A_886 = vector.broadcast %jit3A_885 : i32 to vector<16xi32>
      %select_n3A_887 = arith.select %lt3A_4, %gather3A_884, %broadcast_in_dim3A_886 : vector<16xi1>, vector<16xi32>
      %add3A_888 = arith.constant 7000 : i32
      %add3A_889 = vector.broadcast %add3A_888 : i32 to vector<16xi32>
      %add3A_890 = arith.addi %select_n3A_887, %add3A_889 : vector<16xi32>
      %gather3A_891 = tpu.vector_load_idx %arg11[%add3A_890] : memref<8016xf32, #tpu.memory_space<vmem>>[vector<16xi32>], vector<16xf32>,
      %exp3A_892 = math.exp %gather3A_883 : vector<16xf32>
      %jit3A_893 = arith.constant 0.000000e+00 : f32
      %broadcast_in_dim3A_894 = vector.broadcast %jit3A_893 : f32 to vector<16xf32>
      %select_n3A_895 = arith.select %lt3A_4, %exp3A_892, %broadcast_in_dim3A_894 : vector<16xi1>, vector<16xf32>
      %mul3A_896 = arith.mulf %select_n3A_895, %gather3A_891 : vector<16xf32>
      %add3A_897 = arith.addf %scan3A_878#0, %mul3A_896 : vector<16xf32>
      %add3A_898 = arith.addf %scan3A_878#1, %select_n3A_895 : vector<16xf32>
      %reduce_sum3A_899 = arith.constant true
      %reduce_sum3A_900 = vector.broadcast %reduce_sum3A_899 : i1 to vector<16xi1>
      %reduce_sum3A_901 = tpu.scan <sum>, %add3A_897 masked %reduce_sum3A_900 : vector<16xf32>, vector<16xi1> -> vector<16xf32>
      %reduce_sum3A_902 = vector.extract %reduce_sum3A_901[15] : f32 from vector<16xf32>
      %broadcast_in_dim3A_903 = vector.broadcast %reduce_sum3A_902 : f32 to vector<16xf32>
      %reduce_sum3A_904 = arith.constant true
      %reduce_sum3A_905 = vector.broadcast %reduce_sum3A_904 : i1 to vector<16xi1>
      %reduce_sum3A_906 = tpu.scan <sum>, %add3A_898 masked %reduce_sum3A_905 : vector<16xf32>, vector<16xi1> -> vector<16xf32>
      %reduce_sum3A_907 = vector.extract %reduce_sum3A_906[15] : f32 from vector<16xf32>
      %broadcast_in_dim3A_908 = vector.broadcast %reduce_sum3A_907 : f32 to vector<16xf32>
      %div3A_909 = arith.divf %broadcast_in_dim3A_903, %broadcast_in_dim3A_908 : vector<16xf32>
      %jit3A_910 = arith.constant 0.000000e+00 : f32
      %jit3A_911 = arith.constant 1.000000e+00 : f32
      %max3A_912 = vector.broadcast %jit3A_910 : f32 to vector<16xf32>
      %max3A_913 = arith.maximumf %max3A_912, %div3A_909 : vector<16xf32>
      %min3A_914 = vector.broadcast %jit3A_911 : f32 to vector<16xf32>
      %min3A_915 = arith.minimumf %min3A_914, %max3A_913 : vector<16xf32>
      %mul3A_916 = arith.constant 8 : i32
      %mul3A_917 = arith.muli %add3A_486, %mul3A_916 : i32
      %add3A_918 = arith.constant 7 : i32
      %add3A_919 = arith.addi %mul3A_917, %add3A_918 : i32
      %broadcast_in_dim3A_920 = vector.broadcast %add3A_919 : i32 to vector<16xi32>
      %eq3A_921 = arith.constant 0 : i32
      %eq3A_922 = vector.broadcast %eq3A_921 : i32 to vector<16xi32>
      %eq3A_923 = arith.cmpi eq, %iota3A, %eq3A_922 : vector<16xi32>
      tpu.vector_store_idx %arg12[%broadcast_in_dim3A_920], %min3A_915 masked %eq3A_923 : memref<512xf32, #tpu.memory_space<vmem>>[vector<16xi32>], vector<16xf32>, vector<16xi1>
      %add3A_924 = arith.constant 2 : i32
      %add3A_925 = arith.addi %add3A_486, %add3A_924 : i32
      %lt3A_926 = arith.constant 64 : i32
      %lt3A_927 = arith.cmpi slt, %add3A_925, %lt3A_926 : i32
      %convert_element_type3A_928 = arith.extui %lt3A_927 : i1 to i32
      %cond3A_929 = arith.constant 0 : i32
      %cond3A_930 = arith.cmpi ne, %convert_element_type3A_928, %cond3A_929 : i32
      scf.if %cond3A_930 {
        %add3A_931 = arith.constant 2 : i32
        %add3A_932 = arith.addi %add3A_486, %add3A_931 : i32
        %mul3A_933 = arith.constant 8000 : i32
        %mul3A_934 = arith.muli %add3A_932, %mul3A_933 : i32
        %add3A_935 = arith.addi %mul3A_2, %mul3A_934 : i32
        %dma_start3A_936 = arith.constant 0 : i32
        %dma_start3A_937 = tpu.memref_slice %arg7[%dma_start3A_936] : memref<8016xf32, #tpu.memory_space<vmem>> -> memref<8000xf32, #tpu.memory_space<vmem>>
        %dma_start3A_938 = tpu.memref_slice %arg2[%add3A_935] : memref<16384000xf32, #tpu.memory_space<hbm>> -> memref<8000xf32, #tpu.memory_space<hbm>>
        %dma_start3A_939 = arith.constant 0 : i32
        %dma_start3A_940 = tpu.memref_slice %arg7[%dma_start3A_939] : memref<8016xf32, #tpu.memory_space<vmem>> -> memref<8000xf32, #tpu.memory_space<vmem>>
        %dma_start3A_941 = tpu.memref_slice %arg2[%add3A_935] : memref<16384000xf32, #tpu.memory_space<hbm>> -> memref<8000xf32, #tpu.memory_space<hbm>>
        tpu.enqueue_dma source(%dma_start3A_941 : memref<8000xf32, #tpu.memory_space<hbm>>) target(%dma_start3A_940 : memref<8000xf32, #tpu.memory_space<vmem>>) target_semaphore(%arg14 : memref<!tpu.dma_semaphore, #tpu.memory_space<semaphore_mem>>)
        %dma_start3A_942 = arith.constant 0 : i32
        %dma_start3A_943 = tpu.memref_slice %arg9[%dma_start3A_942] : memref<8016xi32, #tpu.memory_space<vmem>> -> memref<8000xi32, #tpu.memory_space<vmem>>
        %dma_start3A_944 = tpu.memref_slice %arg3[%add3A_935] : memref<16384000xi32, #tpu.memory_space<hbm>> -> memref<8000xi32, #tpu.memory_space<hbm>>
        %dma_start3A_945 = arith.constant 0 : i32
        %dma_start3A_946 = tpu.memref_slice %arg9[%dma_start3A_945] : memref<8016xi32, #tpu.memory_space<vmem>> -> memref<8000xi32, #tpu.memory_space<vmem>>
        %dma_start3A_947 = tpu.memref_slice %arg3[%add3A_935] : memref<16384000xi32, #tpu.memory_space<hbm>> -> memref<8000xi32, #tpu.memory_space<hbm>>
        tpu.enqueue_dma source(%dma_start3A_947 : memref<8000xi32, #tpu.memory_space<hbm>>) target(%dma_start3A_946 : memref<8000xi32, #tpu.memory_space<vmem>>) target_semaphore(%arg16 : memref<!tpu.dma_semaphore, #tpu.memory_space<semaphore_mem>>)
        %dma_start3A_948 = arith.constant 0 : i32
        %dma_start3A_949 = tpu.memref_slice %arg11[%dma_start3A_948] : memref<8016xf32, #tpu.memory_space<vmem>> -> memref<8000xf32, #tpu.memory_space<vmem>>
        %dma_start3A_950 = tpu.memref_slice %arg4[%add3A_935] : memref<16384000xf32, #tpu.memory_space<hbm>> -> memref<8000xf32, #tpu.memory_space<hbm>>
        %dma_start3A_951 = arith.constant 0 : i32
        %dma_start3A_952 = tpu.memref_slice %arg11[%dma_start3A_951] : memref<8016xf32, #tpu.memory_space<vmem>> -> memref<8000xf32, #tpu.memory_space<vmem>>
        %dma_start3A_953 = tpu.memref_slice %arg4[%add3A_935] : memref<16384000xf32, #tpu.memory_space<hbm>> -> memref<8000xf32, #tpu.memory_space<hbm>>
        tpu.enqueue_dma source(%dma_start3A_953 : memref<8000xf32, #tpu.memory_space<hbm>>) target(%dma_start3A_952 : memref<8000xf32, #tpu.memory_space<vmem>>) target_semaphore(%arg18 : memref<!tpu.dma_semaphore, #tpu.memory_space<semaphore_mem>>)
      } else {
      }
    }
    %scan3A_48 = arith.constant 32 : i32
    %mul3A_49 = arith.constant 512 : i32
    %mul3A_50 = arith.muli %add3A, %mul3A_49 : i32
    "tpu.region"() ({
      %run_scoped3A = tpu.sem_alloc : memref<!tpu.dma_semaphore, #tpu.memory_space<semaphore_mem>>
      %dma_start3A_51 = tpu.memref_slice %arg5[%mul3A_50] : memref<16384xf32, #tpu.memory_space<hbm>> -> memref<512xf32, #tpu.memory_space<hbm>>
      %dma_start3A_52 = tpu.memref_slice %arg5[%mul3A_50] : memref<16384xf32, #tpu.memory_space<hbm>> -> memref<512xf32, #tpu.memory_space<hbm>>
      tpu.enqueue_dma source(%arg12 : memref<512xf32, #tpu.memory_space<vmem>>) target(%dma_start3A_52 : memref<512xf32, #tpu.memory_space<hbm>>) target_semaphore(%run_scoped3A : memref<!tpu.dma_semaphore, #tpu.memory_space<semaphore_mem>>)
      %dma_wait3A = tpu.memref_slice %arg5[%mul3A_50] : memref<16384xf32, #tpu.memory_space<hbm>> -> memref<512xf32, #tpu.memory_space<hbm>>
      %dma_wait3A_53 = tpu.memref_slice %arg5[%mul3A_50] : memref<16384xf32, #tpu.memory_space<hbm>> -> memref<512xf32, #tpu.memory_space<hbm>>
      tpu.wait_dma2 semaphore(%run_scoped3A : memref<!tpu.dma_semaphore, #tpu.memory_space<semaphore_mem>>) src(%arg12 : memref<512xf32, #tpu.memory_space<vmem>>) dst(%dma_wait3A_53 : memref<512xf32, #tpu.memory_space<hbm>>)
      tpu.yield
    }) : () -> ()
    return
  }
}

</mosaic_0001>

<sc_bundles>
// kernel: kernel.3.cloned.1.call-start
scs
__scs_entry_jumppad:
0x0: {  	(pc) =	sbr.rel $0x88, $3  }
0x1: {  	(tag) =	ssettag $0x0;
	lr =	simm.s32 $0x1  }
0x2: {  	[smem:$0x3F9E] =	sst lr;
	_ =	strace $0xD0000000  }
0x3: {  	_ = 	snop  }
0x4: {  	_ = 	snop  }
0x5: {  	_ = 	snop  }
0x6: {  	_ = 	snop  }
0x7: {  	_ = 	snop  }
__scs_overlays_trampoline_lowered:
0x8: {  	[smem:$0x3FAD] =	sst s0  }
0x9: {  	[smem:$0x3FAE] =	sst s1  }
0xa: {  	[smem:$0x3FAF] =	sst s2  }
0xb: {  	[smem:$0x3FB0] =	sst s3  }
0xc: {  	[smem:$0x3FB1] =	sst s4  }
0xd: {  	[smem:$0x3FB2] =	sst s5  }
0xe: {  	[smem:$0x3FB3] =	sst s6  }
0xf: {  	[smem:$0x3FB4] =	sst s7  }
0x10: {  	[smem:$0x3FB5] =	sst s8  }
0x11: {  	[smem:$0x3FB6] =	sst s9;
	s0 =	simm.s32 @!p0 $0x0  }
0x12: {  	s1 =	sld [smem:$0x3F9C];
	s0 =	simm.s32 @p0 $0x1  }
0x13: {  	[smem:$0x3FB7] =	sst s0;
	s0 =	simm.s32 @!p1 $0x0  }
0x14: {  	s2 =	sld [smem:$0x3F9B];
	s0 =	simm.s32 @p1 $0x1  }
0x15: {  	[smem:$0x3FB8] =	sst s0;
	s0 =	simm.s32 @!p2 $0x0  }
0x16: {  	s3 =	sld [smem:$0x3FDB];
	s0 =	simm.s32 @p2 $0x1  }
0x17: {  	s4 =	simm.s32 $0x1BF5;
	[smem:$0x3FBA] =	sst s0  }
0x18: {  	s0 =	sld [smem:$0x3F9D];
	_ =	swait.ge [sflag:s4], $0x0  }
0x19: {  	s7 =	sld [smem:$0x3F9E]  }
0x1a: {  	s8 =	sadd.s32 $0xFFFFE003, lr  }
0x1b: {  	s9 =	sadd.s32 $0xFFFFFEF7, lr;
	s5 =	simm.s32 $0xFFFFFFFF;
	p2 =	slt.u32 s8, $0xFFFFF086  }
0x1c: {  	p1 =	slt.u32 s9, $0xF7A;
	s5 =	simm.s32 @!p2 $0x0  }
0x1d: {  	s5 =	simm.s32 @p1 $0x1;
	p0 =	seq.s32 s7, s2  }
0x1e: {  	s7 =	smul.u32 @!p0 $0xF7A, s2;
	p2 =	seq.s32 @!p0 s5, $0x0  }
0x1f: {  	s9 =	smul.u32 $0xF7A, s1;
	s8 =	simm.s32 @!p0 $0x1BF5;
	p2 =	por !p2, p0  }
0x20: {  	[sflag:s8] =	ssyncset.s32 @!p0 $0xFFFFF086;
	s6 =	sadd.s32 @!p0 s3, s7;
	s7 =	simm.s32 @!p0 $0x108  }
0x21: {  	s3 =	sadd.s32 s3, s9;
	s6 =	sadd.s32 @!p0 $0x88, s6;
	s7 =	simm.s32 @p2 $0x1082  }
0x22: {  	[simem:s7], [sflag:s8] =	dma.local @!p0 [hbm:s6], $0xF7A  }
0x23: {  	s9 =	sor.u32 $0xD0000000, s2;
	s6 =	simm.s32 $0x108;
	_ =	swait.ge @!p0 [sflag:s8], $0x0  }
0x24: {  	s3 =	sadd.s32 $0x88, s3;
	s6 =	simm.s32 @!p1 $0x1082;
	[sflag:s4] =	ssyncset.s32 $0xFFFFF086  }
0x25: {  	[simem:s6], [sflag:s4] =	dma.local [hbm:s3], $0xF7A  }
0x26: {  	[smem:$0x3F9E] =	sst s1;
	(tag) =	ssettag s2;
	_ =	strace s9  }
0x27: {  	s1 =	sld [smem:$0x3FAE]  }
0x28: {  	s2 =	sld [smem:$0x3FAF]  }
0x29: {  	s4 =	sld [smem:$0x3FB1]  }
0x2a: {  	p0 =	seq.s32 s5, $0x0;
	s5 =	sld [smem:$0x3FB2]  }
0x2b: {  	s6 =	sld [smem:$0x3FB3]  }
0x2c: {  	s7 =	sld [smem:$0x3FB4]  }
0x2d: {  	s3 =	simm.s32 $0x108;
	s8 =	sld [smem:$0x3FB5]  }
0x2e: {  	s3 =	simm.s32 @!p0 $0x1082;
	s9 =	sld [smem:$0x3FB6]  }
0x2f: {  	lr =	sadd.s32 s0, s3;
	s0 =	sld [smem:$0x3FAD]  }
0x30: {  	s3 =	sld [smem:$0x3FB0]  }
0x31: {  	[smem:$0x3FB9] =	sst s10  }
0x32: {  	s10 =	sld [smem:$0x3FB7];
	_ =	sdelay $0x3  }
0x33: {  	p0 =	seq.s32 s10, $0x1;
	s10 =	sld [smem:$0x3FB9];
	_ =	sdelay $0x3  }
0x34: {  	[smem:$0x3FB9] =	sst s10  }
0x35: {  	s10 =	sld [smem:$0x3FB8];
	_ =	sdelay $0x3  }
0x36: {  	p1 =	seq.s32 s10, $0x1;
	s10 =	sld [smem:$0x3FB9];
	_ =	sdelay $0x3  }
0x37: {  	[smem:$0x3FB9] =	sst s10  }
0x38: {  	s10 =	sld [smem:$0x3FBA]  }
0x39: {  	_ = 	snop;
	(pc) =	sbr.ind lr, $3  }
0x3a: {  	_ = 	snop  }
0x3b: {  	_ = 	snop  }
0x3c: {  	p2 =	seq.s32 s10, $0x1;
	s10 =	sld [smem:$0x3FB9]  }
0x3d: {  	_ =	shalt  }
0x3e: {  	_ =	shalt  }
0x3f: {  	_ =	shalt  }
0x40: {  	_ =	shalt  }
0x41: {  	_ =	shalt  }
0x42: {  	_ =	shalt  }
0x43: {  	_ =	shalt  }
0x44: {  	_ =	shalt  }
0x45: {  	_ =	shalt  }
0x46: {  	_ =	shalt  }
0x47: {  	_ =	shalt  }
0x48: {  	_ =	shalt  }
0x49: {  	_ =	shalt  }
0x4a: {  	_ =	shalt  }
0x4b: {  	_ =	shalt  }
0x4c: {  	_ =	shalt  }
0x4d: {  	_ =	shalt  }
0x4e: {  	_ =	shalt  }
0x4f: {  	_ =	shalt  }
0x50: {  	_ =	shalt  }
0x51: {  	_ =	shalt  }
0x52: {  	_ =	shalt  }
0x53: {  	_ =	shalt  }
0x54: {  	_ =	shalt  }
0x55: {  	_ =	shalt  }
0x56: {  	_ =	shalt  }
0x57: {  	_ =	shalt  }
0x58: {  	_ =	shalt  }
0x59: {  	_ =	shalt  }
0x5a: {  	_ =	shalt  }
0x5b: {  	_ =	shalt  }
0x5c: {  	_ =	shalt  }
0x5d: {  	_ =	shalt  }
0x5e: {  	_ =	shalt  }
0x5f: {  	_ =	shalt  }
0x60: {  	_ =	shalt  }
0x61: {  	_ =	shalt  }
0x62: {  	_ =	shalt  }
0x63: {  	_ =	shalt  }
0x64: {  	_ =	shalt  }
0x65: {  	_ =	shalt  }
0x66: {  	_ =	shalt  }
0x67: {  	_ =	shalt  }
0x68: {  	_ =	shalt  }
0x69: {  	_ =	shalt  }
0x6a: {  	_ =	shalt  }
0x6b: {  	_ =	shalt  }
0x6c: {  	_ =	shalt  }
0x6d: {  	_ =	shalt  }
0x6e: {  	_ =	shalt  }
0x6f: {  	_ =	shalt  }
0x70: {  	_ =	shalt  }
0x71: {  	_ =	shalt  }
0x72: {  	_ =	shalt  }
0x73: {  	_ =	shalt  }
0x74: {  	_ =	shalt  }
0x75: {  	_ =	shalt  }
0x76: {  	_ =	shalt  }
0x77: {  	_ =	shalt  }
0x78: {  	_ =	shalt  }
0x79: {  	_ =	shalt  }
0x7a: {  	_ =	shalt  }
0x7b: {  	_ =	shalt  }
0x7c: {  	_ =	shalt  }
0x7d: {  	_ =	shalt  }
0x7e: {  	_ =	shalt  }
0x7f: {  	_ =	shalt  }
0x80: {  	_ =	shalt  }
0x81: {  	_ =	shalt  }
0x82: {  	_ =	shalt  }
0x83: {  	_ =	shalt  }
0x84: {  	_ =	shalt  }
0x85: {  	_ =	shalt  }
0x86: {  	_ =	shalt  }
0x87: {  	_ =	shalt  }
.Lfunc_end0:
.L_simem_size_0:
called_computation_lowered:
.L_overlay_start_0:
0x88: {  	s2 =	sld [smem:$0x3FD9]  }
0x89: {  	s3 =	sld [smem:$0x3FFE];
	_ =	sdelay $0x1  }
0x8a: {  	s1 =	srdreg.scid  }
0x8b: {  	s0 =	sand.u32 $0x1, s1  }
0x8c: {  	s17 =	sshll.u32 s0, $0xA;
	s2 =	sadd.s32 s3, s2  }
0x8d: {  	s2 =	sadd.s32 s2, s17  }
0x8e: {  	[smem:$0x3FC5] =	sst s2  }
0x8f: {  	_ = 	snop  }
0x90: {  	s2 =	sld [smem:$0x3FD0];
	(tm) =	ssettm $0x1  }
0x91: {  	s18 =	sld [smem:$0x3FFB];
	_ =	sdelay $0x3  }
0x92: {  	_ =	strace s18  }
0x93: {  	s3 =	sld [smem:$0x3FFC];
	_ =	sdelay $0x3  }
0x94: {  	_ =	strace s3  }
0x95: {  	s3 =	sld [smem:$0x3FFD];
	_ =	sdelay $0x3  }
0x96: {  	_ =	strace s3  }
0x97: {  	_ =	strace $0x8FFFFFFF  }
0x98: {  	s19 =	sld [smem:$0x3FDB];
	_ =	sdelay $0x1  }
0x99: {  	s4 =	simm.s32 $_scs_section_size  }
0x9a: {  	s5 =	simm.s32 $_size__tile_overlayer_lowered;
	s6 =	simm.s32 $_tile_overlayer_lowered  }
0x9b: {  	s22 =	simm.s32 $0x1BFF;
	s21 =	sshll.u32 s6, $0x1;
	s3 =	sadd.s32 s4, s19  }
0x9c: {  	s7 =	simm.s32 $0x0;
	s20 =	sshll.u32 s5, $0x1;
	s5 =	sadd.s32 s21, s3  }
0x9d: {  	[timem:s7], [sflag:s22] =	dma.local [hbm:s5], s20  }
0x9e: {  	_ =	swait.ge [sflag:s22], s20  }
0x9f: {  	s4 =	ssub.s32 $0x0, s20;
	[sflag:s22] =	ssyncset.done $0x0  }
0xa0: {  	[sflag:s22] =	ssyncadd.s32 s4;
	_ =	sdelay $0x1  }
0xa1: {  	s23 =	simm.s32 $0x1B8B  }
0xa2: {  	_ =	swait.ge [sflag:s23], $0x1  }
0xa3: {  	[sflag:s23] =	ssyncset.done $0x0  }
0xa4: {  	s25 =	simm.s32 $0x1B8E;
	s24 =	sld [smem:$0x3FFE];
	[sflag:s23] =	ssyncadd.s32 $0xFFFFFFFF  }
0xa5: {  	s26 =	simm.s32 $execute0_lowered;
	[smem:$0x3FD2] =	sst s25  }
0xa6: {  	s5 =	sshll.u32 s26, $0x1;
	_ =	strace $0x80000046;
	[dreg:$0x1] =	wrdreg $0xFFFFFFFF  }
0xa7: {  	s28 =	simm.s32 $_size_execute0_lowered;
	s3 =	sadd.s32 s3, s5;
	[dreg:$0x0] =	wrdreg $0x0  }
0xa8: {  	s5 =	sshll.u32 s28, $0x1;
	[dreg:$0x2] =	wrdreg s3  }
0xa9: {  	[dreg:$0x3] =	wrdreg s5  }
0xaa: {  	[dreg:$0x4] =	wrdreg $0xC0  }
0xab: {  	_ =	task [dreg:s7], $0x5FFFF  }
0xac: {  	[dreg:$0x1] =	wrdreg $0xFFFFFFFF  }
0xad: {  	[dreg:$0x0] =	wrdreg $0x60  }
0xae: {  	[dreg:$0x2] =	wrdreg s24  }
0xaf: {  	[dreg:$0x3] =	wrdreg s2  }
0xb0: {  	[dreg:$0x4] =	wrdreg $0x9  }
0xb1: {  	_ =	task.clear_ibuf [dreg:s7], $0x5FFFF;
	_ =	strace $0x90000046  }
0xb2: {  	s29 =	simm.s32 $0x9;
	_ =	strace $0x80000048  }
0xb3: {  	_ =	swait.ge [sflag:s29], $0x1  }
0xb4: {  	[sflag:s29] =	ssyncadd.s32 $0xFFFFFFFF  }
0xb5: {  	_ =	strace $0x90000048  }
0xb6: {  	_ =	sfence  }
0xb7: {  	s30 =	sld [smem:$0x0];
	_ =	sdelay $0x2  }
0xb8: {  	s31 =	sshll.u32 s1, $0xD;
	s1 =	sshrl.u32 s1, $0x2  }
0xb9: {  	s3 =	sand.u32 $0x4000, s31;
	s1 =	sadd.s32 s1, s30  }
0xba: {  	s0 =	sor.u32 s3, s0;
	s1 =	sshll.u32 s1, $0x11  }
0xbb: {  	s0 =	sor.u32 s1, s0  }
0xbc: {  	s0 =	sadd.s32 $0x8F2B, s0  }
0xbd: {  	[sflag:s0] =	ssyncadd.remote.s32 $0x1  }
0xbe: {  	_ =	sfence.sel $0xFFFF  }
0xbf: {  	[dreg:$0x0] =	wrdreg $0xFFFFFFFF;
	(pc) =	sbr.abs _section_cstart, $3  }
0xc0: {  	[dreg:$0x1] =	wrdreg $0xFFFFFFFF  }
0xc1: {  	_ =	task.clear_ibuf [dreg:s7], $0x2FFFF;
	_ =	strace $0x9FFFFFFF  }
0xc2: {  	(tm) =	ssettm $0x7FFFFFFF  }
0xc3: {  	_ =	shalt  }
tec
execute0_lowered:
.L_overlay_start_1:
0x0: {  	(tag) =	ssettag $0x1  }
0x1: {  	s0 =	rddreg [dreg:$0x0]  }
0x2: {  	s1 =	rddreg [dreg:$0x1];
	s3 =	srdreg.scid  }
0x3: {  	s4 =	stileid.u32;
	s2 =	simm.s32 $0x0;
	s16 =	simm.s32 $0x3EA0  }
0x4: {  	s17 =	simm.s32 $0x7D40;
	s18 =	simm.s32 $0x1F50;
	s19 =	simm.s32 $0x5DF0  }
0x5: {  	s20 =	simm.s32 $0x9C90;
	s21 =	simm.s32 $0x1;
	s22 =	simm.s32 $0x3  }
0x6: {  	s28 =	simm.s32 $0x6;
	s29 =	simm.s32 $0x7;
	s30 =	simm.s32 $0x0  }
0x7: {  	s5 =	sand.u32 $0x1, s3;
	s23 =	sshll.u32 s4, $0x1;
	[smem:$0x7FF] =	sst s2  }
0x8: {  	s3 =	sadd.s32 $0x200400, s0;
	s4 =	sadd.s32 $0x3F4400, s0;
	s12 =	sor.u32 s5, s23  }
0x9: {  	_ =	strace $0x80000047;
	s6 =	ssub.s32 $0x2, s5;
	s5 =	sadd.s32 $0x5E8400, s0  }
0xa: {  	s13 =	smul.u32 $0x7D000, s12;
	s24 =	sshrl.u32 s6, $0x1;
	s14 =	sshll.u32 s12, $0x6  }
0xb: {  	s23 =	simm.s32 $0x5;
	s0 =	ssub.s32 s6, s24;
	s14 =	sadd.s32 s1, s14  }
0xc: {  	s24 =	simm.s32 $0xBBE0;
	s8 =	sshrl.u32 s13, $0x3;
	s12 =	sadd.s32 $0x3E80, s13  }
.Ltmp0:
0xd: {  	v0 =	vlaneseq.u32;
	s13 =	sadd.s32 $0x5DC0, s13;
	s25 =	sadd.s32 s3, s8;
	(pc) =	sbr.rel .LBB2_1-.Ltmp0, $4  }
0xe: {  	v2 =	vimm.s32 $0x0;
	vm1 =	vcmask $0x300;
	vm0 =	vmmov $0xff;
	s15 =	smax.u32 s0, $0x1;
	s26 =	sadd.s32 s4, s8;
	[dreg:$0x3] =	wrdreg s25  }
0xf: {  	v1 =	vor.u32 $0x3E0, v0;
	v2 =	vsel vm1, $0x3, v2;
	v3 =	vand.u32 $0x7, v0;
	s11 =	sadd.s32 $0x3E8, s8;
	s31 =	sadd.s32 s5, s8;
	[dreg:$0x4] =	wrdreg s26  }
0x10: {  	v4 =	vadd.s32 $0x7C8, v0;
	v5 =	vor.u32 $0xBB0, v0;
	v6 =	vadd.s32 $0xF98, v0;
	[dreg:$0x5] =	wrdreg s31;
	s9 =	sadd.s32 s3, s11;
	s10 =	sadd.s32 s4, s11  }
0x11: {  	v7 =	vor.u32 $0x1380, v0;
	v8 =	vadd.s32 $0x1768, v0;
	v9 =	vor.u32 $0x1B50, v0;
	s11 =	sadd.s32 s5, s11;
	s25 =	simm.s32 $0x2;
	s26 =	simm.s32 $0x4  }
.LBB2_36:
0x12: {  	s30 =	sadd.s32 $0x1, s30  }
0x13: {  	p0 =	sne.s32 s30, s15  }
.Ltmp1:
0x14: {  	_ = 	snop;
	(pc) =	sbr.rel @!p0 .LBB2_37-.Ltmp1, $4  }
0x15: {  	[hbm4b:s14+s2] =	stream.linear.scatter [tilespmem:s24], [sflag:$0x7], $0x200, $0x38;
	[tilespmem:$0xBDE0] =	vst v63  }
0x16: {  	_ =	swait.ge [sflag:s29], $0x200  }
0x17: {  	[sflag:s29] =	ssyncset.done $0x0  }
0x18: {  	[sflag:s29] =	ssyncadd.s32 $0xFFFFFE00  }
.LBB2_1:
0x19: {  	s0 =	rddreg [dreg:$0x3]  }
0x1a: {  	[tilespmem:s2], [sflag:$0x1] =	stream.linear.gather [hbm4b:s0+s2], $0x1F40, $0x38;
	[tilespmem:$0xBDE0] =	vst v63  }
0x1b: {  	s7 =	rddreg [dreg:$0x4]  }
0x1c: {  	[tilespmem:s16], [sflag:$0x3] =	stream.linear.gather [hbm4b:s7+s2], $0x1F40, $0x38;
	[tilespmem:$0xBDE0] =	vst v63  }
0x1d: {  	s8 =	rddreg [dreg:$0x5]  }
0x1e: {  	[tilespmem:s17], [sflag:$0x5] =	stream.linear.gather [hbm4b:s8+s2], $0x1F40, $0x38;
	[tilespmem:$0xBDE0] =	vst v63  }
0x1f: {  	_ = 	snop  }
0x20: {  	[tilespmem:s18], [sflag:$0x2] =	stream.linear.gather [hbm4b:s9+s2], $0x1F40, $0x38;
	[tilespmem:$0xBDE0] =	vst v63  }
0x21: {  	_ = 	snop  }
0x22: {  	[tilespmem:s19], [sflag:$0x4] =	stream.linear.gather [hbm4b:s10+s2], $0x1F40, $0x38;
	[tilespmem:$0xBDE0] =	vst v63  }
0x23: {  	s31 =	simm.s32 $0x0  }
0x24: {  	[tilespmem:s20], [sflag:$0x6] =	stream.linear.gather [hbm4b:s11+s2], $0x1F40, $0x38;
	[tilespmem:$0xBDE0] =	vst v63  }
.LBB2_2:
0x25: {  	_ =	swait.ge [sflag:s21], $0x1F40  }
0x26: {  	[sflag:s21] =	ssyncset.done $0x0  }
0x27: {  	[sflag:s21] =	ssyncadd.s32 $0xFFFFE0C0  }
0x28: {  	s0 =	simm.s32 $0x0;
	_ =	swait.ge [sflag:s22], $0x1F40  }
0x29: {  	v10 =	vor.u32 s0, v0;
	[sflag:s22] =	ssyncset.done $0x0  }
0x2a: {  	[sflag:s22] =	ssyncadd.s32 $0xFFFFE0C0  }
0x2b: {  	_ =	swait.ge [sflag:s23], $0x1F40  }
0x2c: {  	[sflag:s23] =	ssyncset.done $0x0  }
0x2d: {  	[sflag:s23] =	ssyncadd.s32 $0xFFFFE0C0  }
0x2e: {  	v11 =	vld.idx.msk [tilespmem:v10+s16+$0x0], $0xffff  }
0x2f: {  	v10 =	vld.idx.msk [tilespmem:v10+s2+$0x0], $0xffff;
	_ =	sdelay $0x2  }
0x30: {  	s7 =	simm.s32 $0x10  }
0x31: {  	v13 =	vor.u32 s7, v0  }
0x32: {  	v14 =	vmul.f32 $1.442695020e+00, v10;
	_ =	sdelay $0x1  }
0x33: {  	(erf) = vpow2.f32 v14;
	_ =	sdelay $0x1  }
0x34: {  	v15 =	vld.idx.msk [tilespmem:v13+s2+$0x0], $0xffff;
	_ =	sdelay $0x1  }
0x35: {  	s8 =	simm.s32 $0x20;
	v13 =	vld.idx.msk [tilespmem:v13+s16+$0x0], $0xffff  }
0x36: {  	s0 =	simm.s32 $0x30;
	v10 =	vimm.f32 $0.0e+00;
	v14 =	vor.u32 s8, v0;
	v12 =	vld.idx.msk [tilespmem:v11+s17+$0x0], $0xffff;
	v11 =	vimm.f32 $0.0e+00  }
.LBB2_3:
0x37: {  	p0 =	sne.s32 s0, $0x3D0  }
0x38: {  	v15 =	vmul.f32 $1.442695020e+00, v15;
	_ =	sdelay $0x1  }
0x39: {  	(erf) = vpow2.f32 v15;
	v16 =	vpop (erf)  }
.Ltmp2:
0x3a: {  	v15 =	vld.idx.msk [tilespmem:v14+s2+$0x0], $0xffff;
	v12 =	vmul.f32 v12, v16;
	v10 =	vadd.f32 v16, v10;
	(pc) =	sbr.rel @p0 .LBB2_3-.Ltmp2, $4  }
0x3b: {  	_ = 	snop  }
0x3c: {  	v11 =	vadd.f32 v12, v11  }
0x3d: {  	v12 =	vld.idx.msk [tilespmem:v13+s17+$0x0], $0xffff  }
0x3e: {  	v13 =	vld.idx.msk [tilespmem:v14+s16+$0x0], $0xffff;
	v14 =	vor.u32 s0, v0;
	s0 =	sadd.s32 $0x10, s0  }
0x3f: {  	_ =	sdelay $0x3  }
0x40: {  	v16 =	vld.idx.msk [tilespmem:v14+s2+$0x0], $0xffff  }
0x41: {  	v17 =	vld.idx.msk [tilespmem:v1+s2+$0x0], $0xffff;
	_ =	sdelay $0x1  }
0x42: {  	v15 =	vmul.f32 $1.442695020e+00, v15;
	v14 =	vld.idx.msk [tilespmem:v14+s16+$0x0], $0xffff  }
0x43: {  	v18 =	vld.idx.msk [tilespmem:v1+s16+$0x0], $0xffff  }
0x44: {  	(erf) = vpow2.f32 v15;
	v15 =	vmul.f32 $1.442695020e+00, v16  }
0x45: {  	v16 =	vmul.f32 $1.442695020e+00, v17  }
0x46: {  	(erf) = vpow2.f32 v15  }
0x47: {  	(erf) = vpow2.f32 v16  }
0x48: {  	v15 =	vnsel vm0, $0x0, v18  }
0x49: {  	v13 =	vld.idx.msk [tilespmem:v13+s17+$0x0], $0xffff;
	_ =	sdelay $0x1  }
0x4a: {  	v14 =	vld.idx.msk [tilespmem:v14+s17+$0x0], $0xffff;
	v16 =	vpop (erf)  }
0x4b: {  	v12 =	vmul.f32 v12, v16  }
0x4c: {  	v17 =	vpop (erf);
	v15 =	vld.idx.msk [tilespmem:v15+s17+$0x0], $0xffff  }
0x4d: {  	v11 =	vadd.f32 v12, v11;
	v12 =	vmul.f32 v13, v17  }
0x4e: {  	v10 =	vadd.f32 v16, v10;
	v13 =	vpop (erf)  }
0x4f: {  	v11 =	vadd.f32 v12, v11;
	v12 =	vmul.f32 v14, v13;
	v14 =	vpop (erf)  }
0x50: {  	v10 =	vadd.f32 v17, v10;
	v14 =	vnsel vm0, $0x0, v14  }
0x51: {  	v11 =	vadd.f32 v12, v11;
	v12 =	vmul.f32 v14, v15  }
0x52: {  	v10 =	vadd.f32 v13, v10  }
0x53: {  	v11 =	vadd.f32 v12, v11  }
0x54: {  	v10 =	vadd.f32 v14, v10  }
0x55: {  	(xrf2) =	vadd.scan.msk.f32 $0xffff, v11  }
0x56: {  	(xrf2) =	vadd.scan.msk.f32 $0xffff, v10;
	_ =	sdelay $0x8  }
0x57: {  	v10, _, _ =	vpop (xrf2)  }
0x58: {  	v11, _, _ =	vpop (xrf2)  }
0x59: {  	v11 =	vbroadcast v11, $0xF;
	_ =	sdelay $0x1  }
0x5a: {  	(erf) = vrcp.f32 v11;
	_ =	sdelay $0x3  }
0x5b: {  	s0 =	sshll.u32 s31, $0x4  }
0x5c: {  	v11 =	vmov s0  }
0x5d: {  	v11 =	vshrl.u32 v11, $0x3  }
0x5e: {  	s1 =	simm.s32 $0x3E8;
	v11 =	vshll.u32 v11, v2  }
0x5f: {  	v13 =	vadd.s32 s1, v0;
	v10 =	vbroadcast v10, $0xF;
	v12 =	vbroadcast v11, $0x0  }
0x60: {  	v13 =	vand.u32 $0xFF8, v13;
	v14 =	vpop (erf)  }
0x61: {  	v13 =	vor.u32 v3, v13;
	v10 =	vmul.f32 v14, v10  }
0x62: {  	s6 =	simm.s32 $0x3F8  }
0x63: {  	v14 =	vadd.s32 s6, v0;
	v10 =	vmax.f32 v10, $0.0e+00  }
0x64: {  	v14 =	vand.u32 $0xFF8, v14;
	v10 =	vmin.f32 v10, $1.000000000e+00  }
0x65: {  	[tilespmem:v12+s24+$0x0] =	vst.idx.msk $0x1, v10;
	v10 =	vor.u32 v3, v14  }
0x66: {  	v12 =	vld.idx.msk [tilespmem:v13+s16+$0x0], $0xffff  }
0x67: {  	v13 =	vld.idx.msk [tilespmem:v13+s2+$0x0], $0xffff;
	_ =	sdelay $0x2  }
0x68: {  	s7 =	simm.s32 $0x408;
	v15 =	vld.idx.msk [tilespmem:v10+s2+$0x0], $0xffff  }
0x69: {  	v14 =	vadd.s32 s7, v0  }
0x6a: {  	v14 =	vand.u32 $0xFF8, v14;
	v13 =	vmul.f32 $1.442695020e+00, v13  }
0x6b: {  	v16 =	vor.u32 v3, v14  }
0x6c: {  	v18 =	vld.idx.msk [tilespmem:v10+s16+$0x0], $0xffff;
	v12 =	vadd.s32 $0x3E8, v12;
	(erf) = vpow2.f32 v13  }
0x6d: {  	s8 =	simm.s32 $0x418;
	v19 =	vmul.f32 $1.442695020e+00, v15  }
0x6e: {  	v10 =	vadd.s32 s8, v0  }
0x6f: {  	v17 =	vand.u32 $0xFF8, v10;
	(erf) = vpow2.f32 v19  }
0x70: {  	v14 =	vld.idx.msk [tilespmem:v16+s2+$0x0], $0xffff;
	v17 =	vor.u32 v3, v17  }
0x71: {  	v15 =	vadd.s32 $0x3E8, v18;
	v12 =	vld.idx.msk [tilespmem:v12+s17+$0x0], $0xffff  }
0x72: {  	s1 =	simm.s32 $0x428;
	v10 =	vimm.f32 $0.0e+00;
	v16 =	vld.idx.msk [tilespmem:v16+s16+$0x0], $0xffff;
	v13 =	vimm.f32 $0.0e+00;
	v18 =	vmov v17  }
.LBB2_5:
0x73: {  	p0 =	sne.s32 s1, $0x7B8  }
.Ltmp3:
0x74: {  	v19 =	vadd.s32 s1, v0;
	(pc) =	sbr.rel @p0 .LBB2_5-.Ltmp3, $4  }
0x75: {  	s1 =	sadd.s32 $0x10, s1;
	v19 =	vand.u32 $0xFF8, v19;
	v20 =	vpop (erf);
	v21 =	vmov v14;
	v14 =	vld.idx.msk [tilespmem:v17+s2+$0x0], $0xffff  }
0x76: {  	v17 =	vor.u32 v3, v19;
	v19 =	vmul.f32 $1.442695020e+00, v21;
	v21 =	vmul.f32 v12, v20;
	v12 =	vld.idx.msk [tilespmem:v15+s17+$0x0], $0xffff  }
0x77: {  	v10 =	vadd.f32 v20, v10;
	v15 =	vadd.s32 $0x3E8, v16;
	v16 =	vld.idx.msk [tilespmem:v18+s16+$0x0], $0xffff;
	v18 =	vmov v17  }
0x78: {  	(erf) = vpow2.f32 v19;
	v13 =	vadd.f32 v21, v13  }
0x79: {  	_ =	sdelay $0x3  }
0x7a: {  	v17 =	vld.idx.msk [tilespmem:v17+s2+$0x0], $0xffff  }
0x7b: {  	v19 =	vld.idx.msk [tilespmem:v4+s2+$0x0], $0xffff  }
0x7c: {  	v18 =	vld.idx.msk [tilespmem:v18+s16+$0x0], $0xffff  }
0x7d: {  	v20 =	vld.idx.msk [tilespmem:v4+s16+$0x0], $0xffff;
	v14 =	vmul.f32 $1.442695020e+00, v14;
	_ =	sdelay $0x1  }
0x7e: {  	(erf) = vpow2.f32 v14;
	v14 =	vadd.s32 $0x3E8, v16;
	v16 =	vmul.f32 $1.442695020e+00, v17  }
0x7f: {  	v17 =	vmul.f32 $1.442695020e+00, v19  }
0x80: {  	v18 =	vadd.s32 $0x3E8, v18;
	(erf) = vpow2.f32 v16  }
0x81: {  	v15 =	vld.idx.msk [tilespmem:v15+s17+$0x0], $0xffff;
	v16 =	vnsel vm0, $0x0, v20;
	(erf) = vpow2.f32 v17  }
0x82: {  	v16 =	vadd.s32 $0x3E8, v16  }
0x83: {  	v14 =	vld.idx.msk [tilespmem:v14+s17+$0x0], $0xffff;
	v17 =	vpop (erf)  }
0x84: {  	v12 =	vmul.f32 v12, v17  }
0x85: {  	v19 =	vpop (erf);
	v18 =	vld.idx.msk [tilespmem:v18+s17+$0x0], $0xffff  }
0x86: {  	v12 =	vadd.f32 v12, v13;
	v13 =	vmul.f32 v15, v19  }
0x87: {  	v10 =	vadd.f32 v17, v10;
	v15 =	vpop (erf);
	v16 =	vld.idx.msk [tilespmem:v16+s17+$0x0], $0xffff  }
0x88: {  	v12 =	vadd.f32 v13, v12;
	v13 =	vmul.f32 v14, v15  }
0x89: {  	v10 =	vadd.f32 v19, v10;
	v14 =	vpop (erf)  }
0x8a: {  	v12 =	vadd.f32 v13, v12;
	v13 =	vmul.f32 v18, v14;
	v17 =	vpop (erf)  }
0x8b: {  	v10 =	vadd.f32 v15, v10;
	v15 =	vnsel vm0, $0x0, v17  }
0x8c: {  	v12 =	vadd.f32 v13, v12;
	v13 =	vmul.f32 v15, v16  }
0x8d: {  	v10 =	vadd.f32 v14, v10  }
0x8e: {  	v12 =	vadd.f32 v13, v12  }
0x8f: {  	v10 =	vadd.f32 v15, v10  }
0x90: {  	(xrf2) =	vadd.scan.msk.f32 $0xffff, v12  }
0x91: {  	(xrf2) =	vadd.scan.msk.f32 $0xffff, v10;
	_ =	sdelay $0x8  }
0x92: {  	v10, _, _ =	vpop (xrf2)  }
0x93: {  	v12, _, _ =	vpop (xrf2)  }
0x94: {  	v12 =	vbroadcast v12, $0xF;
	_ =	sdelay $0x1  }
0x95: {  	(erf) = vrcp.f32 v12;
	_ =	sdelay $0x6  }
0x96: {  	v12 =	vadd.s32 $0x1, v11  }
0x97: {  	v10 =	vbroadcast v10, $0xF;
	v12 =	vbroadcast v12, $0x0  }
0x98: {  	s1 =	simm.s32 $0x7D0;
	v13 =	vpop (erf)  }
0x99: {  	v10 =	vmul.f32 v13, v10;
	v13 =	vor.u32 s1, v0;
	_ =	sdelay $0x1  }
0x9a: {  	v10 =	vmax.f32 v10, $0.0e+00  }
0x9b: {  	v10 =	vmin.f32 v10, $1.000000000e+00  }
0x9c: {  	[tilespmem:v12+s24+$0x0] =	vst.idx.msk $0x1, v10  }
0x9d: {  	v10 =	vld.idx.msk [tilespmem:v13+s2+$0x0], $0xffff  }
0x9e: {  	s6 =	simm.s32 $0x7E0  }
0x9f: {  	v12 =	vor.u32 s6, v0  }
0xa0: {  	v13 =	vld.idx.msk [tilespmem:v13+s16+$0x0], $0xffff;
	_ =	sdelay $0x1  }
0xa1: {  	v10 =	vmul.f32 $1.442695020e+00, v10  }
0xa2: {  	s7 =	simm.s32 $0x7F0  }
0xa3: {  	v14 =	vor.u32 s7, v0;
	(erf) = vpow2.f32 v10;
	v10 =	vld.idx.msk [tilespmem:v12+s2+$0x0], $0xffff  }
0xa4: {  	v16 =	vld.idx.msk [tilespmem:v12+s16+$0x0], $0xffff;
	v13 =	vadd.s32 $0x7D0, v13;
	_ =	sdelay $0x2  }
0xa5: {  	s8 =	simm.s32 $0x800  }
0xa6: {  	v15 =	vor.u32 s8, v0;
	v19 =	vld.idx.msk [tilespmem:v14+s2+$0x0], $0xffff;
	v18 =	vmul.f32 $1.442695020e+00, v10  }
0xa7: {  	v16 =	vadd.s32 $0x7D0, v16;
	v12 =	vld.idx.msk [tilespmem:v13+s17+$0x0], $0xffff  }
0xa8: {  	v17 =	vld.idx.msk [tilespmem:v14+s16+$0x0], $0xffff;
	(erf) = vpow2.f32 v18;
	_ =	sdelay $0x2  }
0xa9: {  	s1 =	simm.s32 $0x810;
	v13 =	vimm.f32 $0.0e+00;
	v10 =	vimm.f32 $0.0e+00;
	v18 =	vld.idx.msk [tilespmem:v15+s2+$0x0], $0xffff;
	v14 =	vpop (erf)  }
.LBB2_7:
0xaa: {  	v20 =	vor.u32 s1, v0;
	v19 =	vmul.f32 $1.442695020e+00, v19;
	v21 =	vmul.f32 v12, v14;
	v12 =	vld.idx.msk [tilespmem:v16+s17+$0x0], $0xffff;
	p0 =	sne.s32 s1, $0xBA0  }
.Ltmp4:
0xab: {  	s1 =	sadd.s32 $0x10, s1;
	v16 =	vadd.s32 $0x7D0, v17;
	v10 =	vadd.f32 v14, v10;
	v17 =	vld.idx.msk [tilespmem:v15+s16+$0x0], $0xffff;
	v15 =	vmov v20;
	(pc) =	sbr.rel @p0 .LBB2_7-.Ltmp4, $2  }
0xac: {  	(erf) = vpow2.f32 v19;
	v13 =	vadd.f32 v21, v13;
	_ =	sdelay $0x2  }
0xad: {  	v19 =	vmov v18;
	v14 =	vpop (erf);
	v18 =	vld.idx.msk [tilespmem:v20+s2+$0x0], $0xffff  }
0xae: {  	_ =	sdelay $0x3  }
0xaf: {  	v20 =	vld.idx.msk [tilespmem:v5+s2+$0x0], $0xffff  }
0xb0: {  	v15 =	vld.idx.msk [tilespmem:v15+s16+$0x0], $0xffff  }
0xb1: {  	v19 =	vmul.f32 $1.442695020e+00, v19;
	v21 =	vld.idx.msk [tilespmem:v5+s16+$0x0], $0xffff;
	_ =	sdelay $0x1  }
0xb2: {  	v17 =	vadd.s32 $0x7D0, v17;
	(erf) = vpow2.f32 v19;
	v18 =	vmul.f32 $1.442695020e+00, v18  }
0xb3: {  	v19 =	vmul.f32 $1.442695020e+00, v20  }
0xb4: {  	v15 =	vadd.s32 $0x7D0, v15;
	(erf) = vpow2.f32 v18  }
0xb5: {  	v16 =	vld.idx.msk [tilespmem:v16+s17+$0x0], $0xffff;
	v18 =	vnsel vm0, $0x0, v21;
	(erf) = vpow2.f32 v19  }
0xb6: {  	v18 =	vadd.s32 $0x7D0, v18  }
0xb7: {  	v17 =	vld.idx.msk [tilespmem:v17+s17+$0x0], $0xffff  }
0xb8: {  	v12 =	vmul.f32 v12, v14  }
0xb9: {  	v19 =	vpop (erf);
	v15 =	vld.idx.msk [tilespmem:v15+s17+$0x0], $0xffff  }
0xba: {  	v12 =	vadd.f32 v12, v13;
	v13 =	vmul.f32 v16, v19  }
0xbb: {  	v10 =	vadd.f32 v14, v10;
	v16 =	vpop (erf);
	v14 =	vld.idx.msk [tilespmem:v18+s17+$0x0], $0xffff  }
0xbc: {  	v12 =	vadd.f32 v13, v12;
	v13 =	vmul.f32 v17, v16  }
0xbd: {  	v10 =	vadd.f32 v19, v10;
	v17 =	vpop (erf)  }
0xbe: {  	v12 =	vadd.f32 v13, v12;
	v13 =	vmul.f32 v15, v17;
	v15 =	vpop (erf)  }
0xbf: {  	v10 =	vadd.f32 v16, v10;
	v15 =	vnsel vm0, $0x0, v15  }
0xc0: {  	v12 =	vadd.f32 v13, v12;
	v13 =	vmul.f32 v15, v14  }
0xc1: {  	v10 =	vadd.f32 v17, v10  }
0xc2: {  	v12 =	vadd.f32 v13, v12  }
0xc3: {  	v10 =	vadd.f32 v15, v10  }
0xc4: {  	(xrf2) =	vadd.scan.msk.f32 $0xffff, v12  }
0xc5: {  	(xrf2) =	vadd.scan.msk.f32 $0xffff, v10;
	_ =	sdelay $0x8  }
0xc6: {  	v10, _, _ =	vpop (xrf2)  }
0xc7: {  	v12, _, _ =	vpop (xrf2)  }
0xc8: {  	v12 =	vbroadcast v12, $0xF;
	_ =	sdelay $0x1  }
0xc9: {  	(erf) = vrcp.f32 v12;
	_ =	sdelay $0x6  }
0xca: {  	s1 =	simm.s32 $0xBB8;
	v12 =	vadd.s32 $0x2, v11  }
0xcb: {  	v13 =	vadd.s32 s1, v0;
	v10 =	vbroadcast v10, $0xF;
	v12 =	vbroadcast v12, $0x0  }
0xcc: {  	v13 =	vand.u32 $0x1FF8, v13;
	v14 =	vpop (erf)  }
0xcd: {  	v13 =	vor.u32 v3, v13;
	v10 =	vmul.f32 v14, v10  }
0xce: {  	s6 =	simm.s32 $0xBC8  }
0xcf: {  	v14 =	vadd.s32 s6, v0;
	v10 =	vmax.f32 v10, $0.0e+00  }
0xd0: {  	v14 =	vand.u32 $0x1FF8, v14;
	v10 =	vmin.f32 v10, $1.000000000e+00  }
0xd1: {  	[tilespmem:v12+s24+$0x0] =	vst.idx.msk $0x1, v10;
	v10 =	vor.u32 v3, v14  }
0xd2: {  	v12 =	vld.idx.msk [tilespmem:v13+s16+$0x0], $0xffff  }
0xd3: {  	v13 =	vld.idx.msk [tilespmem:v13+s2+$0x0], $0xffff;
	_ =	sdelay $0x2  }
0xd4: {  	s7 =	simm.s32 $0xBD8;
	v15 =	vld.idx.msk [tilespmem:v10+s2+$0x0], $0xffff  }
0xd5: {  	v14 =	vadd.s32 s7, v0  }
0xd6: {  	v14 =	vand.u32 $0x1FF8, v14;
	v13 =	vmul.f32 $1.442695020e+00, v13  }
0xd7: {  	v16 =	vor.u32 v3, v14  }
0xd8: {  	v18 =	vld.idx.msk [tilespmem:v10+s16+$0x0], $0xffff;
	v12 =	vadd.s32 $0xBB8, v12;
	(erf) = vpow2.f32 v13  }
0xd9: {  	s8 =	simm.s32 $0xBE8;
	v19 =	vmul.f32 $1.442695020e+00, v15  }
0xda: {  	v10 =	vadd.s32 s8, v0  }
0xdb: {  	v17 =	vand.u32 $0x1FF8, v10;
	(erf) = vpow2.f32 v19  }
0xdc: {  	v14 =	vld.idx.msk [tilespmem:v16+s2+$0x0], $0xffff;
	v17 =	vor.u32 v3, v17  }
0xdd: {  	v15 =	vadd.s32 $0xBB8, v18;
	v12 =	vld.idx.msk [tilespmem:v12+s17+$0x0], $0xffff  }
0xde: {  	s1 =	simm.s32 $0xBF8;
	v10 =	vimm.f32 $0.0e+00;
	v16 =	vld.idx.msk [tilespmem:v16+s16+$0x0], $0xffff;
	v13 =	vimm.f32 $0.0e+00;
	v18 =	vmov v17  }
.LBB2_9:
0xdf: {  	p0 =	sne.s32 s1, $0xF88  }
.Ltmp5:
0xe0: {  	v19 =	vadd.s32 s1, v0;
	(pc) =	sbr.rel @p0 .LBB2_9-.Ltmp5, $4  }
0xe1: {  	s1 =	sadd.s32 $0x10, s1;
	v19 =	vand.u32 $0x1FF8, v19;
	v20 =	vpop (erf);
	v21 =	vmov v14;
	v14 =	vld.idx.msk [tilespmem:v17+s2+$0x0], $0xffff  }
0xe2: {  	v17 =	vor.u32 v3, v19;
	v19 =	vmul.f32 $1.442695020e+00, v21;
	v21 =	vmul.f32 v12, v20;
	v12 =	vld.idx.msk [tilespmem:v15+s17+$0x0], $0xffff  }
0xe3: {  	v10 =	vadd.f32 v20, v10;
	v15 =	vadd.s32 $0xBB8, v16;
	v16 =	vld.idx.msk [tilespmem:v18+s16+$0x0], $0xffff;
	v18 =	vmov v17  }
0xe4: {  	(erf) = vpow2.f32 v19;
	v13 =	vadd.f32 v21, v13  }
0xe5: {  	_ =	sdelay $0x3  }
0xe6: {  	v17 =	vld.idx.msk [tilespmem:v17+s2+$0x0], $0xffff  }
0xe7: {  	v19 =	vld.idx.msk [tilespmem:v6+s2+$0x0], $0xffff  }
0xe8: {  	v18 =	vld.idx.msk [tilespmem:v18+s16+$0x0], $0xffff  }
0xe9: {  	v20 =	vld.idx.msk [tilespmem:v6+s16+$0x0], $0xffff;
	v14 =	vmul.f32 $1.442695020e+00, v14;
	_ =	sdelay $0x1  }
0xea: {  	(erf) = vpow2.f32 v14;
	v14 =	vadd.s32 $0xBB8, v16;
	v16 =	vmul.f32 $1.442695020e+00, v17  }
0xeb: {  	v17 =	vmul.f32 $1.442695020e+00, v19  }
0xec: {  	v18 =	vadd.s32 $0xBB8, v18;
	(erf) = vpow2.f32 v16  }
0xed: {  	v15 =	vld.idx.msk [tilespmem:v15+s17+$0x0], $0xffff;
	v16 =	vnsel vm0, $0x0, v20;
	(erf) = vpow2.f32 v17  }
0xee: {  	v16 =	vadd.s32 $0xBB8, v16  }
0xef: {  	v14 =	vld.idx.msk [tilespmem:v14+s17+$0x0], $0xffff;
	v17 =	vpop (erf)  }
0xf0: {  	v12 =	vmul.f32 v12, v17  }
0xf1: {  	v19 =	vpop (erf);
	v18 =	vld.idx.msk [tilespmem:v18+s17+$0x0], $0xffff  }
0xf2: {  	v12 =	vadd.f32 v12, v13;
	v13 =	vmul.f32 v15, v19  }
0xf3: {  	v10 =	vadd.f32 v17, v10;
	v15 =	vpop (erf);
	v16 =	vld.idx.msk [tilespmem:v16+s17+$0x0], $0xffff  }
0xf4: {  	v12 =	vadd.f32 v13, v12;
	v13 =	vmul.f32 v14, v15  }
0xf5: {  	v10 =	vadd.f32 v19, v10;
	v14 =	vpop (erf)  }
0xf6: {  	v12 =	vadd.f32 v13, v12;
	v13 =	vmul.f32 v18, v14;
	v17 =	vpop (erf)  }
0xf7: {  	v10 =	vadd.f32 v15, v10;
	v15 =	vnsel vm0, $0x0, v17  }
0xf8: {  	v12 =	vadd.f32 v13, v12;
	v13 =	vmul.f32 v15, v16  }
0xf9: {  	v10 =	vadd.f32 v14, v10  }
0xfa: {  	v12 =	vadd.f32 v13, v12  }
0xfb: {  	v10 =	vadd.f32 v15, v10  }
0xfc: {  	(xrf2) =	vadd.scan.msk.f32 $0xffff, v12  }
0xfd: {  	(xrf2) =	vadd.scan.msk.f32 $0xffff, v10;
	_ =	sdelay $0x8  }
0xfe: {  	v10, _, _ =	vpop (xrf2)  }
0xff: {  	v12, _, _ =	vpop (xrf2)  }
0x100: {  	v12 =	vbroadcast v12, $0xF;
	_ =	sdelay $0x1  }
0x101: {  	(erf) = vrcp.f32 v12;
	_ =	sdelay $0x6  }
0x102: {  	v12 =	vadd.s32 $0x3, v11  }
0x103: {  	v10 =	vbroadcast v10, $0xF;
	v12 =	vbroadcast v12, $0x0  }
0x104: {  	s1 =	simm.s32 $0xFA0;
	v13 =	vpop (erf)  }
0x105: {  	v10 =	vmul.f32 v13, v10;
	v13 =	vor.u32 s1, v0;
	_ =	sdelay $0x1  }
0x106: {  	v10 =	vmax.f32 v10, $0.0e+00  }
0x107: {  	v10 =	vmin.f32 v10, $1.000000000e+00  }
0x108: {  	[tilespmem:v12+s24+$0x0] =	vst.idx.msk $0x1, v10  }
0x109: {  	v10 =	vld.idx.msk [tilespmem:v13+s2+$0x0], $0xffff  }
0x10a: {  	s6 =	simm.s32 $0xFB0  }
0x10b: {  	v12 =	vor.u32 s6, v0  }
0x10c: {  	v13 =	vld.idx.msk [tilespmem:v13+s16+$0x0], $0xffff;
	_ =	sdelay $0x1  }
0x10d: {  	v10 =	vmul.f32 $1.442695020e+00, v10  }
0x10e: {  	s7 =	simm.s32 $0xFC0  }
0x10f: {  	v14 =	vor.u32 s7, v0;
	(erf) = vpow2.f32 v10;
	v10 =	vld.idx.msk [tilespmem:v12+s2+$0x0], $0xffff  }
0x110: {  	v16 =	vld.idx.msk [tilespmem:v12+s16+$0x0], $0xffff;
	v13 =	vadd.s32 $0xFA0, v13;
	_ =	sdelay $0x2  }
0x111: {  	s8 =	simm.s32 $0xFD0  }
0x112: {  	v15 =	vor.u32 s8, v0;
	v19 =	vld.idx.msk [tilespmem:v14+s2+$0x0], $0xffff;
	v18 =	vmul.f32 $1.442695020e+00, v10  }
0x113: {  	v16 =	vadd.s32 $0xFA0, v16;
	v12 =	vld.idx.msk [tilespmem:v13+s17+$0x0], $0xffff  }
0x114: {  	v17 =	vld.idx.msk [tilespmem:v14+s16+$0x0], $0xffff;
	(erf) = vpow2.f32 v18;
	_ =	sdelay $0x2  }
0x115: {  	s1 =	simm.s32 $0xFE0;
	v13 =	vimm.f32 $0.0e+00;
	v10 =	vimm.f32 $0.0e+00;
	v18 =	vld.idx.msk [tilespmem:v15+s2+$0x0], $0xffff;
	v14 =	vpop (erf)  }
.LBB2_11:
0x116: {  	v20 =	vor.u32 s1, v0;
	v19 =	vmul.f32 $1.442695020e+00, v19;
	v21 =	vmul.f32 v12, v14;
	v12 =	vld.idx.msk [tilespmem:v16+s17+$0x0], $0xffff;
	p0 =	sne.s32 s1, $0x1370  }
.Ltmp6:
0x117: {  	s1 =	sadd.s32 $0x10, s1;
	v16 =	vadd.s32 $0xFA0, v17;
	v10 =	vadd.f32 v14, v10;
	v17 =	vld.idx.msk [tilespmem:v15+s16+$0x0], $0xffff;
	v15 =	vmov v20;
	(pc) =	sbr.rel @p0 .LBB2_11-.Ltmp6, $2  }
0x118: {  	(erf) = vpow2.f32 v19;
	v13 =	vadd.f32 v21, v13;
	_ =	sdelay $0x2  }
0x119: {  	v19 =	vmov v18;
	v14 =	vpop (erf);
	v18 =	vld.idx.msk [tilespmem:v20+s2+$0x0], $0xffff  }
0x11a: {  	_ =	sdelay $0x3  }
0x11b: {  	v20 =	vld.idx.msk [tilespmem:v7+s2+$0x0], $0xffff  }
0x11c: {  	v15 =	vld.idx.msk [tilespmem:v15+s16+$0x0], $0xffff  }
0x11d: {  	v19 =	vmul.f32 $1.442695020e+00, v19;
	v21 =	vld.idx.msk [tilespmem:v7+s16+$0x0], $0xffff;
	_ =	sdelay $0x1  }
0x11e: {  	v17 =	vadd.s32 $0xFA0, v17;
	(erf) = vpow2.f32 v19;
	v18 =	vmul.f32 $1.442695020e+00, v18  }
0x11f: {  	v19 =	vmul.f32 $1.442695020e+00, v20  }
0x120: {  	v15 =	vadd.s32 $0xFA0, v15;
	(erf) = vpow2.f32 v18  }
0x121: {  	v16 =	vld.idx.msk [tilespmem:v16+s17+$0x0], $0xffff;
	v18 =	vnsel vm0, $0x0, v21;
	(erf) = vpow2.f32 v19  }
0x122: {  	v18 =	vadd.s32 $0xFA0, v18  }
0x123: {  	v17 =	vld.idx.msk [tilespmem:v17+s17+$0x0], $0xffff  }
0x124: {  	v12 =	vmul.f32 v12, v14  }
0x125: {  	v19 =	vpop (erf);
	v15 =	vld.idx.msk [tilespmem:v15+s17+$0x0], $0xffff  }
0x126: {  	v12 =	vadd.f32 v12, v13;
	v13 =	vmul.f32 v16, v19  }
0x127: {  	v10 =	vadd.f32 v14, v10;
	v16 =	vpop (erf);
	v14 =	vld.idx.msk [tilespmem:v18+s17+$0x0], $0xffff  }
0x128: {  	v12 =	vadd.f32 v13, v12;
	v13 =	vmul.f32 v17, v16  }
0x129: {  	v10 =	vadd.f32 v19, v10;
	v17 =	vpop (erf)  }
0x12a: {  	v12 =	vadd.f32 v13, v12;
	v13 =	vmul.f32 v15, v17;
	v15 =	vpop (erf)  }
0x12b: {  	v10 =	vadd.f32 v16, v10;
	v15 =	vnsel vm0, $0x0, v15  }
0x12c: {  	v12 =	vadd.f32 v13, v12;
	v13 =	vmul.f32 v15, v14  }
0x12d: {  	v10 =	vadd.f32 v17, v10  }
0x12e: {  	v12 =	vadd.f32 v13, v12  }
0x12f: {  	v10 =	vadd.f32 v15, v10  }
0x130: {  	(xrf2) =	vadd.scan.msk.f32 $0xffff, v12  }
0x131: {  	(xrf2) =	vadd.scan.msk.f32 $0xffff, v10;
	_ =	sdelay $0x8  }
0x132: {  	v10, _, _ =	vpop (xrf2)  }
0x133: {  	v12, _, _ =	vpop (xrf2)  }
0x134: {  	v12 =	vbroadcast v12, $0xF;
	_ =	sdelay $0x1  }
0x135: {  	(erf) = vrcp.f32 v12;
	_ =	sdelay $0x6  }
0x136: {  	s1 =	simm.s32 $0x1388;
	v12 =	vadd.s32 $0x4, v11  }
0x137: {  	v13 =	vadd.s32 s1, v0;
	v10 =	vbroadcast v10, $0xF;
	v12 =	vbroadcast v12, $0x0  }
0x138: {  	v13 =	vand.u32 $0x1FF8, v13;
	v14 =	vpop (erf)  }
0x139: {  	v13 =	vor.u32 v3, v13;
	v10 =	vmul.f32 v14, v10  }
0x13a: {  	s6 =	simm.s32 $0x1398  }
0x13b: {  	v14 =	vadd.s32 s6, v0;
	v10 =	vmax.f32 v10, $0.0e+00  }
0x13c: {  	v14 =	vand.u32 $0x1FF8, v14;
	v10 =	vmin.f32 v10, $1.000000000e+00  }
0x13d: {  	[tilespmem:v12+s24+$0x0] =	vst.idx.msk $0x1, v10;
	v10 =	vor.u32 v3, v14  }
0x13e: {  	v12 =	vld.idx.msk [tilespmem:v13+s16+$0x0], $0xffff  }
0x13f: {  	v13 =	vld.idx.msk [tilespmem:v13+s2+$0x0], $0xffff;
	_ =	sdelay $0x2  }
0x140: {  	s7 =	simm.s32 $0x13A8;
	v15 =	vld.idx.msk [tilespmem:v10+s2+$0x0], $0xffff  }
0x141: {  	v14 =	vadd.s32 s7, v0  }
0x142: {  	v14 =	vand.u32 $0x1FF8, v14;
	v13 =	vmul.f32 $1.442695020e+00, v13  }
0x143: {  	v16 =	vor.u32 v3, v14  }
0x144: {  	v18 =	vld.idx.msk [tilespmem:v10+s16+$0x0], $0xffff;
	v12 =	vadd.s32 $0x1388, v12;
	(erf) = vpow2.f32 v13  }
0x145: {  	s8 =	simm.s32 $0x13B8;
	v19 =	vmul.f32 $1.442695020e+00, v15  }
0x146: {  	v10 =	vadd.s32 s8, v0  }
0x147: {  	v17 =	vand.u32 $0x1FF8, v10;
	(erf) = vpow2.f32 v19  }
0x148: {  	v14 =	vld.idx.msk [tilespmem:v16+s2+$0x0], $0xffff;
	v17 =	vor.u32 v3, v17  }
0x149: {  	v15 =	vadd.s32 $0x1388, v18;
	v12 =	vld.idx.msk [tilespmem:v12+s17+$0x0], $0xffff  }
0x14a: {  	s1 =	simm.s32 $0x13C8;
	v10 =	vimm.f32 $0.0e+00;
	v16 =	vld.idx.msk [tilespmem:v16+s16+$0x0], $0xffff;
	v13 =	vimm.f32 $0.0e+00;
	v18 =	vmov v17  }
.LBB2_13:
0x14b: {  	p0 =	sne.s32 s1, $0x1758  }
.Ltmp7:
0x14c: {  	v19 =	vadd.s32 s1, v0;
	(pc) =	sbr.rel @p0 .LBB2_13-.Ltmp7, $4  }
0x14d: {  	s1 =	sadd.s32 $0x10, s1;
	v19 =	vand.u32 $0x1FF8, v19;
	v20 =	vpop (erf);
	v21 =	vmov v14;
	v14 =	vld.idx.msk [tilespmem:v17+s2+$0x0], $0xffff  }
0x14e: {  	v17 =	vor.u32 v3, v19;
	v19 =	vmul.f32 $1.442695020e+00, v21;
	v21 =	vmul.f32 v12, v20;
	v12 =	vld.idx.msk [tilespmem:v15+s17+$0x0], $0xffff  }
0x14f: {  	v10 =	vadd.f32 v20, v10;
	v15 =	vadd.s32 $0x1388, v16;
	v16 =	vld.idx.msk [tilespmem:v18+s16+$0x0], $0xffff;
	v18 =	vmov v17  }
0x150: {  	(erf) = vpow2.f32 v19;
	v13 =	vadd.f32 v21, v13  }
0x151: {  	_ =	sdelay $0x3  }
0x152: {  	v17 =	vld.idx.msk [tilespmem:v17+s2+$0x0], $0xffff  }
0x153: {  	v19 =	vld.idx.msk [tilespmem:v8+s2+$0x0], $0xffff  }
0x154: {  	v18 =	vld.idx.msk [tilespmem:v18+s16+$0x0], $0xffff  }
0x155: {  	v20 =	vld.idx.msk [tilespmem:v8+s16+$0x0], $0xffff;
	v14 =	vmul.f32 $1.442695020e+00, v14;
	_ =	sdelay $0x1  }
0x156: {  	(erf) = vpow2.f32 v14;
	v14 =	vadd.s32 $0x1388, v16;
	v16 =	vmul.f32 $1.442695020e+00, v17  }
0x157: {  	v17 =	vmul.f32 $1.442695020e+00, v19  }
0x158: {  	v18 =	vadd.s32 $0x1388, v18;
	(erf) = vpow2.f32 v16  }
0x159: {  	v15 =	vld.idx.msk [tilespmem:v15+s17+$0x0], $0xffff;
	v16 =	vnsel vm0, $0x0, v20;
	(erf) = vpow2.f32 v17  }
0x15a: {  	v16 =	vadd.s32 $0x1388, v16  }
0x15b: {  	v14 =	vld.idx.msk [tilespmem:v14+s17+$0x0], $0xffff;
	v17 =	vpop (erf)  }
0x15c: {  	v12 =	vmul.f32 v12, v17  }
0x15d: {  	v19 =	vpop (erf);
	v18 =	vld.idx.msk [tilespmem:v18+s17+$0x0], $0xffff  }
0x15e: {  	v12 =	vadd.f32 v12, v13;
	v13 =	vmul.f32 v15, v19  }
0x15f: {  	v10 =	vadd.f32 v17, v10;
	v15 =	vpop (erf);
	v16 =	vld.idx.msk [tilespmem:v16+s17+$0x0], $0xffff  }
0x160: {  	v12 =	vadd.f32 v13, v12;
	v13 =	vmul.f32 v14, v15  }
0x161: {  	v10 =	vadd.f32 v19, v10;
	v14 =	vpop (erf)  }
0x162: {  	v12 =	vadd.f32 v13, v12;
	v13 =	vmul.f32 v18, v14;
	v17 =	vpop (erf)  }
0x163: {  	v10 =	vadd.f32 v15, v10;
	v15 =	vnsel vm0, $0x0, v17  }
0x164: {  	v12 =	vadd.f32 v13, v12;
	v13 =	vmul.f32 v15, v16  }
0x165: {  	v10 =	vadd.f32 v14, v10  }
0x166: {  	v12 =	vadd.f32 v13, v12  }
0x167: {  	v10 =	vadd.f32 v15, v10  }
0x168: {  	(xrf2) =	vadd.scan.msk.f32 $0xffff, v12  }
0x169: {  	(xrf2) =	vadd.scan.msk.f32 $0xffff, v10;
	_ =	sdelay $0x8  }
0x16a: {  	v10, _, _ =	vpop (xrf2)  }
0x16b: {  	v12, _, _ =	vpop (xrf2)  }
0x16c: {  	v12 =	vbroadcast v12, $0xF;
	_ =	sdelay $0x1  }
0x16d: {  	(erf) = vrcp.f32 v12;
	_ =	sdelay $0x6  }
0x16e: {  	v12 =	vadd.s32 $0x5, v11  }
0x16f: {  	v10 =	vbroadcast v10, $0xF;
	v12 =	vbroadcast v12, $0x0  }
0x170: {  	s1 =	simm.s32 $0x1770;
	v13 =	vpop (erf)  }
0x171: {  	v10 =	vmul.f32 v13, v10;
	v13 =	vor.u32 s1, v0;
	_ =	sdelay $0x1  }
0x172: {  	v10 =	vmax.f32 v10, $0.0e+00  }
0x173: {  	v10 =	vmin.f32 v10, $1.000000000e+00  }
0x174: {  	[tilespmem:v12+s24+$0x0] =	vst.idx.msk $0x1, v10  }
0x175: {  	v10 =	vld.idx.msk [tilespmem:v13+s2+$0x0], $0xffff  }
0x176: {  	s6 =	simm.s32 $0x1780  }
0x177: {  	v12 =	vor.u32 s6, v0  }
0x178: {  	v13 =	vld.idx.msk [tilespmem:v13+s16+$0x0], $0xffff;
	_ =	sdelay $0x1  }
0x179: {  	v10 =	vmul.f32 $1.442695020e+00, v10  }
0x17a: {  	s7 =	simm.s32 $0x1790  }
0x17b: {  	v14 =	vor.u32 s7, v0;
	(erf) = vpow2.f32 v10;
	v10 =	vld.idx.msk [tilespmem:v12+s2+$0x0], $0xffff  }
0x17c: {  	v16 =	vld.idx.msk [tilespmem:v12+s16+$0x0], $0xffff;
	v13 =	vadd.s32 $0x1770, v13;
	_ =	sdelay $0x2  }
0x17d: {  	s8 =	simm.s32 $0x17A0  }
0x17e: {  	v15 =	vor.u32 s8, v0;
	v19 =	vld.idx.msk [tilespmem:v14+s2+$0x0], $0xffff;
	v18 =	vmul.f32 $1.442695020e+00, v10  }
0x17f: {  	v16 =	vadd.s32 $0x1770, v16;
	v12 =	vld.idx.msk [tilespmem:v13+s17+$0x0], $0xffff  }
0x180: {  	v17 =	vld.idx.msk [tilespmem:v14+s16+$0x0], $0xffff;
	(erf) = vpow2.f32 v18;
	_ =	sdelay $0x2  }
0x181: {  	s1 =	simm.s32 $0x17B0;
	v13 =	vimm.f32 $0.0e+00;
	v10 =	vimm.f32 $0.0e+00;
	v18 =	vld.idx.msk [tilespmem:v15+s2+$0x0], $0xffff;
	v14 =	vpop (erf)  }
.LBB2_15:
0x182: {  	v20 =	vor.u32 s1, v0;
	v19 =	vmul.f32 $1.442695020e+00, v19;
	v21 =	vmul.f32 v12, v14;
	v12 =	vld.idx.msk [tilespmem:v16+s17+$0x0], $0xffff;
	p0 =	sne.s32 s1, $0x1B40  }
.Ltmp8:
0x183: {  	s1 =	sadd.s32 $0x10, s1;
	v16 =	vadd.s32 $0x1770, v17;
	v10 =	vadd.f32 v14, v10;
	v17 =	vld.idx.msk [tilespmem:v15+s16+$0x0], $0xffff;
	v15 =	vmov v20;
	(pc) =	sbr.rel @p0 .LBB2_15-.Ltmp8, $2  }
0x184: {  	(erf) = vpow2.f32 v19;
	v13 =	vadd.f32 v21, v13;
	_ =	sdelay $0x2  }
0x185: {  	v19 =	vmov v18;
	v14 =	vpop (erf);
	v18 =	vld.idx.msk [tilespmem:v20+s2+$0x0], $0xffff  }
0x186: {  	_ =	sdelay $0x3  }
0x187: {  	v20 =	vld.idx.msk [tilespmem:v9+s2+$0x0], $0xffff  }
0x188: {  	v15 =	vld.idx.msk [tilespmem:v15+s16+$0x0], $0xffff  }
0x189: {  	v19 =	vmul.f32 $1.442695020e+00, v19;
	v21 =	vld.idx.msk [tilespmem:v9+s16+$0x0], $0xffff;
	_ =	sdelay $0x1  }
0x18a: {  	v17 =	vadd.s32 $0x1770, v17;
	(erf) = vpow2.f32 v19;
	v18 =	vmul.f32 $1.442695020e+00, v18  }
0x18b: {  	v19 =	vmul.f32 $1.442695020e+00, v20  }
0x18c: {  	v15 =	vadd.s32 $0x1770, v15;
	(erf) = vpow2.f32 v18  }
0x18d: {  	v16 =	vld.idx.msk [tilespmem:v16+s17+$0x0], $0xffff;
	v18 =	vnsel vm0, $0x0, v21;
	(erf) = vpow2.f32 v19  }
0x18e: {  	v18 =	vadd.s32 $0x1770, v18  }
0x18f: {  	v17 =	vld.idx.msk [tilespmem:v17+s17+$0x0], $0xffff  }
0x190: {  	v12 =	vmul.f32 v12, v14  }
0x191: {  	v19 =	vpop (erf);
	v15 =	vld.idx.msk [tilespmem:v15+s17+$0x0], $0xffff  }
0x192: {  	v12 =	vadd.f32 v12, v13;
	v13 =	vmul.f32 v16, v19  }
0x193: {  	v10 =	vadd.f32 v14, v10;
	v16 =	vpop (erf);
	v14 =	vld.idx.msk [tilespmem:v18+s17+$0x0], $0xffff  }
0x194: {  	v12 =	vadd.f32 v13, v12;
	v13 =	vmul.f32 v17, v16  }
0x195: {  	v10 =	vadd.f32 v19, v10;
	v17 =	vpop (erf)  }
0x196: {  	v12 =	vadd.f32 v13, v12;
	v13 =	vmul.f32 v15, v17;
	v15 =	vpop (erf)  }
0x197: {  	v10 =	vadd.f32 v16, v10;
	v15 =	vnsel vm0, $0x0, v15  }
0x198: {  	v12 =	vadd.f32 v13, v12;
	v13 =	vmul.f32 v15, v14  }
0x199: {  	v10 =	vadd.f32 v17, v10  }
0x19a: {  	v12 =	vadd.f32 v13, v12  }
0x19b: {  	v10 =	vadd.f32 v15, v10  }
0x19c: {  	(xrf2) =	vadd.scan.msk.f32 $0xffff, v12  }
0x19d: {  	(xrf2) =	vadd.scan.msk.f32 $0xffff, v10;
	_ =	sdelay $0x8  }
0x19e: {  	v10, _, _ =	vpop (xrf2)  }
0x19f: {  	v12, _, _ =	vpop (xrf2)  }
0x1a0: {  	v12 =	vbroadcast v12, $0xF;
	_ =	sdelay $0x1  }
0x1a1: {  	(erf) = vrcp.f32 v12;
	_ =	sdelay $0x6  }
0x1a2: {  	s1 =	simm.s32 $0x1B58;
	v12 =	vadd.s32 $0x6, v11  }
0x1a3: {  	v13 =	vadd.s32 s1, v0;
	v10 =	vbroadcast v10, $0xF;
	v12 =	vbroadcast v12, $0x0  }
0x1a4: {  	v13 =	vand.u32 $0x3FF8, v13;
	v14 =	vpop (erf)  }
0x1a5: {  	v13 =	vor.u32 v3, v13;
	v10 =	vmul.f32 v14, v10  }
0x1a6: {  	s6 =	simm.s32 $0x1B68  }
0x1a7: {  	v14 =	vadd.s32 s6, v0;
	v10 =	vmax.f32 v10, $0.0e+00  }
0x1a8: {  	v14 =	vand.u32 $0x3FF8, v14;
	v10 =	vmin.f32 v10, $1.000000000e+00  }
0x1a9: {  	[tilespmem:v12+s24+$0x0] =	vst.idx.msk $0x1, v10;
	v10 =	vor.u32 v3, v14  }
0x1aa: {  	v12 =	vld.idx.msk [tilespmem:v13+s16+$0x0], $0xffff  }
0x1ab: {  	v13 =	vld.idx.msk [tilespmem:v13+s2+$0x0], $0xffff;
	_ =	sdelay $0x2  }
0x1ac: {  	s7 =	simm.s32 $0x1B78;
	v16 =	vld.idx.msk [tilespmem:v10+s2+$0x0], $0xffff  }
0x1ad: {  	v14 =	vadd.s32 s7, v0  }
0x1ae: {  	v14 =	vand.u32 $0x3FF8, v14;
	v13 =	vmul.f32 $1.442695020e+00, v13  }
0x1af: {  	v14 =	vor.u32 v3, v14  }
0x1b0: {  	v10 =	vld.idx.msk [tilespmem:v10+s16+$0x0], $0xffff;
	v17 =	vadd.s32 $0x1B58, v12;
	(erf) = vpow2.f32 v13  }
0x1b1: {  	s8 =	simm.s32 $0x1B88;
	v19 =	vmul.f32 $1.442695020e+00, v16  }
0x1b2: {  	v12 =	vadd.s32 s8, v0  }
0x1b3: {  	v18 =	vand.u32 $0x3FF8, v12;
	(erf) = vpow2.f32 v19  }
0x1b4: {  	v15 =	vld.idx.msk [tilespmem:v14+s2+$0x0], $0xffff;
	v18 =	vor.u32 v3, v18  }
0x1b5: {  	v16 =	vadd.s32 $0x1B58, v10;
	v13 =	vld.idx.msk [tilespmem:v17+s17+$0x0], $0xffff  }
0x1b6: {  	s1 =	simm.s32 $0x1B98;
	v12 =	vimm.f32 $0.0e+00;
	v17 =	vld.idx.msk [tilespmem:v14+s16+$0x0], $0xffff;
	v14 =	vimm.f32 $0.0e+00;
	v19 =	vmov v18  }
.LBB2_17:
0x1b7: {  	p0 =	sne.s32 s1, $0x1F28  }
.Ltmp9:
0x1b8: {  	v10 =	vadd.s32 s1, v0;
	(pc) =	sbr.rel @p0 .LBB2_17-.Ltmp9, $4  }
0x1b9: {  	s1 =	sadd.s32 $0x10, s1;
	v10 =	vand.u32 $0x3FF8, v10;
	v20 =	vpop (erf);
	v21 =	vmov v15;
	v15 =	vld.idx.msk [tilespmem:v18+s2+$0x0], $0xffff  }
0x1ba: {  	v18 =	vor.u32 v3, v10;
	v10 =	vmul.f32 $1.442695020e+00, v21;
	v21 =	vmul.f32 v13, v20;
	v13 =	vld.idx.msk [tilespmem:v16+s17+$0x0], $0xffff  }
0x1bb: {  	v12 =	vadd.f32 v20, v12;
	v16 =	vadd.s32 $0x1B58, v17;
	v17 =	vld.idx.msk [tilespmem:v19+s16+$0x0], $0xffff;
	v19 =	vmov v18  }
0x1bc: {  	(erf) = vpow2.f32 v10;
	v14 =	vadd.f32 v21, v14  }
0x1bd: {  	v10 =	vadd.s32 $0x1F38, v0;
	_ =	sdelay $0x3  }
0x1be: {  	v18 =	vld.idx.msk [tilespmem:v18+s2+$0x0], $0xffff  }
0x1bf: {  	v20 =	vld.idx.msk [tilespmem:v10+s2+$0x0], $0xffff  }
0x1c0: {  	v19 =	vld.idx.msk [tilespmem:v19+s16+$0x0], $0xffff  }
0x1c1: {  	v15 =	vmul.f32 $1.442695020e+00, v15;
	v21 =	vld.idx.msk [tilespmem:v10+s16+$0x0], $0xffff;
	_ =	sdelay $0x1  }
0x1c2: {  	(erf) = vpow2.f32 v15;
	v15 =	vadd.s32 $0x1B58, v17;
	v17 =	vmul.f32 $1.442695020e+00, v18  }
0x1c3: {  	v18 =	vmul.f32 $1.442695020e+00, v20  }
0x1c4: {  	v19 =	vadd.s32 $0x1B58, v19;
	(erf) = vpow2.f32 v17  }
0x1c5: {  	v16 =	vld.idx.msk [tilespmem:v16+s17+$0x0], $0xffff;
	v17 =	vnsel vm0, $0x0, v21;
	(erf) = vpow2.f32 v18  }
0x1c6: {  	v17 =	vadd.s32 $0x1B58, v17  }
0x1c7: {  	v15 =	vld.idx.msk [tilespmem:v15+s17+$0x0], $0xffff;
	v18 =	vpop (erf)  }
0x1c8: {  	v13 =	vmul.f32 v13, v18  }
0x1c9: {  	v19 =	vld.idx.msk [tilespmem:v19+s17+$0x0], $0xffff;
	v63 =	vpop (erf)  }
0x1ca: {  	v13 =	vadd.f32 v13, v14;
	v14 =	vmul.f32 v16, v63  }
0x1cb: {  	v12 =	vadd.f32 v18, v12;
	v17 =	vld.idx.msk [tilespmem:v17+s17+$0x0], $0xffff;
	v16 =	vpop (erf)  }
0x1cc: {  	v13 =	vadd.f32 v14, v13;
	v14 =	vmul.f32 v15, v16  }
0x1cd: {  	v12 =	vadd.f32 v63, v12;
	v15 =	vpop (erf)  }
0x1ce: {  	v13 =	vadd.f32 v14, v13;
	v14 =	vmul.f32 v19, v15;
	v18 =	vpop (erf)  }
0x1cf: {  	v12 =	vadd.f32 v16, v12;
	v16 =	vnsel vm0, $0x0, v18  }
0x1d0: {  	v13 =	vadd.f32 v14, v13;
	v14 =	vmul.f32 v16, v17  }
0x1d1: {  	v12 =	vadd.f32 v15, v12  }
0x1d2: {  	v13 =	vadd.f32 v14, v13  }
0x1d3: {  	v12 =	vadd.f32 v16, v12  }
0x1d4: {  	(xrf2) =	vadd.scan.msk.f32 $0xffff, v13  }
0x1d5: {  	(xrf2) =	vadd.scan.msk.f32 $0xffff, v12;
	_ =	sdelay $0x8  }
0x1d6: {  	v12, _, _ =	vpop (xrf2)  }
0x1d7: {  	v13, _, _ =	vpop (xrf2)  }
0x1d8: {  	v13 =	vbroadcast v13, $0xF;
	_ =	sdelay $0x1  }
0x1d9: {  	(erf) = vrcp.f32 v13;
	_ =	sdelay $0x6  }
0x1da: {  	v11 =	vadd.s32 $0x7, v11  }
0x1db: {  	v11 =	vbroadcast v11, $0x0;
	v12 =	vbroadcast v12, $0xF  }
0x1dc: {  	p0 =	seq.s32 s31, $0x1F;
	v13 =	vpop (erf)  }
0x1dd: {  	s1 =	smul.u32 @!p0 $0x3E80, s31;
	v12 =	vmul.f32 v13, v12;
	_ =	sdelay $0x1  }
0x1de: {  	s1 =	sadd.s32 @!p0 s1, s12;
	v12 =	vmax.f32 v12, $0.0e+00  }
0x1df: {  	s1 =	sshrl.u32 @!p0 s1, $0x3;
	v12 =	vmin.f32 v12, $1.000000000e+00  }
0x1e0: {  	s7 =	simm.s32 @!p0 $0x0;
	s6 =	sadd.s32 @!p0 s3, s1;
	[tilespmem:v11+s24+$0x0] =	vst.idx.msk $0x1, v12  }
0x1e1: {  	[tilespmem:s7], [sflag:$0x1] =	stream.linear.gather @!p0 [hbm4b:s6+s7], $0x1F40, $0x38;
	[tilespmem:$0xBDE0] =	vst v63  }
0x1e2: {  	s8 =	simm.s32 @!p0 $0x3EA0;
	s6 =	sadd.s32 @!p0 s4, s1  }
0x1e3: {  	[tilespmem:s8], [sflag:$0x3] =	stream.linear.gather @!p0 [hbm4b:s6+s7], $0x1F40, $0x38;
	[tilespmem:$0xBDE0] =	vst v63  }
0x1e4: {  	s1 =	sadd.s32 @!p0 s5, s1;
	s6 =	simm.s32 @!p0 $0x7D40  }
0x1e5: {  	[tilespmem:s6], [sflag:$0x5] =	stream.linear.gather @!p0 [hbm4b:s1+s7], $0x1F40, $0x38;
	[tilespmem:$0xBDE0] =	vst v63  }
0x1e6: {  	_ =	swait.ge [sflag:s25], $0x1F40  }
0x1e7: {  	[sflag:s25] =	ssyncset.done $0x0  }
0x1e8: {  	[sflag:s25] =	ssyncadd.s32 $0xFFFFE0C0  }
0x1e9: {  	s6 =	simm.s32 $0x0;
	_ =	swait.ge [sflag:s26], $0x1F40  }
0x1ea: {  	v11 =	vor.u32 s6, v0;
	[sflag:s26] =	ssyncset.done $0x0  }
0x1eb: {  	[sflag:s26] =	ssyncadd.s32 $0xFFFFE0C0  }
0x1ec: {  	_ =	swait.ge [sflag:s28], $0x1F40  }
0x1ed: {  	[sflag:s28] =	ssyncset.done $0x0  }
0x1ee: {  	[sflag:s28] =	ssyncadd.s32 $0xFFFFE0C0  }
0x1ef: {  	v12 =	vld.idx.msk [tilespmem:v11+s19+$0x0], $0xffff  }
0x1f0: {  	v11 =	vld.idx.msk [tilespmem:v11+s18+$0x0], $0xffff;
	_ =	sdelay $0x2  }
0x1f1: {  	s7 =	simm.s32 $0x10  }
0x1f2: {  	v14 =	vor.u32 s7, v0  }
0x1f3: {  	v15 =	vmul.f32 $1.442695020e+00, v11;
	_ =	sdelay $0x1  }
0x1f4: {  	(erf) = vpow2.f32 v15;
	_ =	sdelay $0x1  }
0x1f5: {  	v16 =	vld.idx.msk [tilespmem:v14+s18+$0x0], $0xffff;
	_ =	sdelay $0x1  }
0x1f6: {  	s8 =	simm.s32 $0x20;
	v14 =	vld.idx.msk [tilespmem:v14+s19+$0x0], $0xffff  }
0x1f7: {  	s1 =	simm.s32 $0x30;
	v11 =	vimm.f32 $0.0e+00;
	v15 =	vor.u32 s8, v0;
	v13 =	vld.idx.msk [tilespmem:v12+s20+$0x0], $0xffff;
	v12 =	vimm.f32 $0.0e+00  }
.LBB2_19:
0x1f8: {  	p1 =	sne.s32 s1, $0x3D0  }
0x1f9: {  	v16 =	vmul.f32 $1.442695020e+00, v16;
	_ =	sdelay $0x1  }
0x1fa: {  	(erf) = vpow2.f32 v16;
	v17 =	vpop (erf)  }
.Ltmp10:
0x1fb: {  	v16 =	vld.idx.msk [tilespmem:v15+s18+$0x0], $0xffff;
	v13 =	vmul.f32 v13, v17;
	v11 =	vadd.f32 v17, v11;
	(pc) =	sbr.rel @p1 .LBB2_19-.Ltmp10, $4  }
0x1fc: {  	_ = 	snop  }
0x1fd: {  	v12 =	vadd.f32 v13, v12  }
0x1fe: {  	v13 =	vld.idx.msk [tilespmem:v14+s20+$0x0], $0xffff  }
0x1ff: {  	v14 =	vld.idx.msk [tilespmem:v15+s19+$0x0], $0xffff;
	v15 =	vor.u32 s1, v0;
	s1 =	sadd.s32 $0x10, s1  }
0x200: {  	_ =	sdelay $0x3  }
0x201: {  	v17 =	vld.idx.msk [tilespmem:v15+s18+$0x0], $0xffff  }
0x202: {  	v18 =	vld.idx.msk [tilespmem:v1+s18+$0x0], $0xffff;
	_ =	sdelay $0x1  }
0x203: {  	v16 =	vmul.f32 $1.442695020e+00, v16;
	v15 =	vld.idx.msk [tilespmem:v15+s19+$0x0], $0xffff  }
0x204: {  	v19 =	vld.idx.msk [tilespmem:v1+s19+$0x0], $0xffff  }
0x205: {  	(erf) = vpow2.f32 v16;
	v16 =	vmul.f32 $1.442695020e+00, v17  }
0x206: {  	v17 =	vmul.f32 $1.442695020e+00, v18  }
0x207: {  	(erf) = vpow2.f32 v16  }
0x208: {  	(erf) = vpow2.f32 v17  }
0x209: {  	v16 =	vnsel vm0, $0x0, v19  }
0x20a: {  	v14 =	vld.idx.msk [tilespmem:v14+s20+$0x0], $0xffff;
	_ =	sdelay $0x1  }
0x20b: {  	v15 =	vld.idx.msk [tilespmem:v15+s20+$0x0], $0xffff;
	v17 =	vpop (erf)  }
0x20c: {  	v13 =	vmul.f32 v13, v17  }
0x20d: {  	v18 =	vpop (erf);
	v16 =	vld.idx.msk [tilespmem:v16+s20+$0x0], $0xffff  }
0x20e: {  	v12 =	vadd.f32 v13, v12;
	v13 =	vmul.f32 v14, v18  }
0x20f: {  	v11 =	vadd.f32 v17, v11;
	v14 =	vpop (erf)  }
0x210: {  	v12 =	vadd.f32 v13, v12;
	v13 =	vmul.f32 v15, v14;
	v15 =	vpop (erf)  }
0x211: {  	v11 =	vadd.f32 v18, v11;
	v15 =	vnsel vm0, $0x0, v15  }
0x212: {  	v12 =	vadd.f32 v13, v12;
	v13 =	vmul.f32 v15, v16  }
0x213: {  	v11 =	vadd.f32 v14, v11  }
0x214: {  	v12 =	vadd.f32 v13, v12  }
0x215: {  	v11 =	vadd.f32 v15, v11  }
0x216: {  	(xrf2) =	vadd.scan.msk.f32 $0xffff, v12  }
0x217: {  	(xrf2) =	vadd.scan.msk.f32 $0xffff, v11;
	_ =	sdelay $0x8  }
0x218: {  	v13, _, _ =	vpop (xrf2)  }
0x219: {  	v11, _, _ =	vpop (xrf2)  }
0x21a: {  	v11 =	vbroadcast v11, $0xF;
	_ =	sdelay $0x1  }
0x21b: {  	(erf) = vrcp.f32 v11;
	_ =	sdelay $0x3  }
0x21c: {  	s0 =	sor.u32 $0x8, s0  }
0x21d: {  	v11 =	vmov s0  }
0x21e: {  	v12 =	vshrl.u32 v11, $0x3  }
0x21f: {  	s1 =	simm.s32 $0x3E8;
	v12 =	vshll.u32 v12, $0x3  }
0x220: {  	v15 =	vadd.s32 s1, v0;
	v13 =	vbroadcast v13, $0xF;
	v14 =	vbroadcast v12, $0x0  }
0x221: {  	v15 =	vand.u32 $0xFF8, v15;
	v16 =	vpop (erf)  }
0x222: {  	v15 =	vor.u32 v3, v15;
	v13 =	vmul.f32 v16, v13  }
0x223: {  	s6 =	simm.s32 $0x3F8  }
0x224: {  	v16 =	vadd.s32 s6, v0;
	v13 =	vmax.f32 v13, $0.0e+00  }
0x225: {  	v16 =	vand.u32 $0xFF8, v16;
	v13 =	vmin.f32 v13, $1.000000000e+00  }
0x226: {  	[tilespmem:v14+s24+$0x0] =	vst.idx.msk $0x1, v13;
	v13 =	vor.u32 v3, v16  }
0x227: {  	v14 =	vld.idx.msk [tilespmem:v15+s19+$0x0], $0xffff  }
0x228: {  	v15 =	vld.idx.msk [tilespmem:v15+s18+$0x0], $0xffff;
	_ =	sdelay $0x2  }
0x229: {  	s7 =	simm.s32 $0x408;
	v17 =	vld.idx.msk [tilespmem:v13+s18+$0x0], $0xffff  }
0x22a: {  	v16 =	vadd.s32 s7, v0  }
0x22b: {  	v16 =	vand.u32 $0xFF8, v16;
	v15 =	vmul.f32 $1.442695020e+00, v15  }
0x22c: {  	v18 =	vor.u32 v3, v16  }
0x22d: {  	v20 =	vld.idx.msk [tilespmem:v13+s19+$0x0], $0xffff;
	v14 =	vadd.s32 $0x3E8, v14;
	(erf) = vpow2.f32 v15  }
0x22e: {  	s8 =	simm.s32 $0x418;
	v21 =	vmul.f32 $1.442695020e+00, v17  }
0x22f: {  	v13 =	vadd.s32 s8, v0  }
0x230: {  	v19 =	vand.u32 $0xFF8, v13;
	(erf) = vpow2.f32 v21  }
0x231: {  	v16 =	vld.idx.msk [tilespmem:v18+s18+$0x0], $0xffff;
	v19 =	vor.u32 v3, v19  }
0x232: {  	v17 =	vadd.s32 $0x3E8, v20;
	v14 =	vld.idx.msk [tilespmem:v14+s20+$0x0], $0xffff  }
0x233: {  	s0 =	simm.s32 $0x428;
	v13 =	vimm.f32 $0.0e+00;
	v18 =	vld.idx.msk [tilespmem:v18+s19+$0x0], $0xffff;
	v15 =	vimm.f32 $0.0e+00;
	v20 =	vmov v19  }
.LBB2_21:
0x234: {  	p1 =	sne.s32 s0, $0x7B8  }
.Ltmp11:
0x235: {  	v21 =	vadd.s32 s0, v0;
	(pc) =	sbr.rel @p1 .LBB2_21-.Ltmp11, $4  }
0x236: {  	s0 =	sadd.s32 $0x10, s0;
	v21 =	vand.u32 $0xFF8, v21;
	v22 =	vpop (erf);
	v23 =	vmov v16;
	v16 =	vld.idx.msk [tilespmem:v19+s18+$0x0], $0xffff  }
0x237: {  	v19 =	vor.u32 v3, v21;
	v21 =	vmul.f32 $1.442695020e+00, v23;
	v23 =	vmul.f32 v14, v22;
	v14 =	vld.idx.msk [tilespmem:v17+s20+$0x0], $0xffff  }
0x238: {  	v13 =	vadd.f32 v22, v13;
	v17 =	vadd.s32 $0x3E8, v18;
	v18 =	vld.idx.msk [tilespmem:v20+s19+$0x0], $0xffff;
	v20 =	vmov v19  }
0x239: {  	(erf) = vpow2.f32 v21;
	v15 =	vadd.f32 v23, v15  }
0x23a: {  	_ =	sdelay $0x3  }
0x23b: {  	v19 =	vld.idx.msk [tilespmem:v19+s18+$0x0], $0xffff  }
0x23c: {  	v21 =	vld.idx.msk [tilespmem:v4+s18+$0x0], $0xffff  }
0x23d: {  	v20 =	vld.idx.msk [tilespmem:v20+s19+$0x0], $0xffff  }
0x23e: {  	v22 =	vld.idx.msk [tilespmem:v4+s19+$0x0], $0xffff;
	v16 =	vmul.f32 $1.442695020e+00, v16;
	_ =	sdelay $0x1  }
0x23f: {  	(erf) = vpow2.f32 v16;
	v16 =	vadd.s32 $0x3E8, v18;
	v18 =	vmul.f32 $1.442695020e+00, v19  }
0x240: {  	v19 =	vmul.f32 $1.442695020e+00, v21  }
0x241: {  	v20 =	vadd.s32 $0x3E8, v20;
	(erf) = vpow2.f32 v18  }
0x242: {  	v17 =	vld.idx.msk [tilespmem:v17+s20+$0x0], $0xffff;
	v18 =	vnsel vm0, $0x0, v22;
	(erf) = vpow2.f32 v19  }
0x243: {  	v18 =	vadd.s32 $0x3E8, v18  }
0x244: {  	v16 =	vld.idx.msk [tilespmem:v16+s20+$0x0], $0xffff;
	v19 =	vpop (erf)  }
0x245: {  	v14 =	vmul.f32 v14, v19  }
0x246: {  	v21 =	vpop (erf);
	v20 =	vld.idx.msk [tilespmem:v20+s20+$0x0], $0xffff  }
0x247: {  	v14 =	vadd.f32 v14, v15;
	v15 =	vmul.f32 v17, v21  }
0x248: {  	v13 =	vadd.f32 v19, v13;
	v17 =	vpop (erf);
	v18 =	vld.idx.msk [tilespmem:v18+s20+$0x0], $0xffff  }
0x249: {  	v14 =	vadd.f32 v15, v14;
	v15 =	vmul.f32 v16, v17  }
0x24a: {  	v13 =	vadd.f32 v21, v13;
	v16 =	vpop (erf)  }
0x24b: {  	v14 =	vadd.f32 v15, v14;
	v15 =	vmul.f32 v20, v16;
	v19 =	vpop (erf)  }
0x24c: {  	v13 =	vadd.f32 v17, v13;
	v17 =	vnsel vm0, $0x0, v19  }
0x24d: {  	v14 =	vadd.f32 v15, v14;
	v15 =	vmul.f32 v17, v18  }
0x24e: {  	v13 =	vadd.f32 v16, v13  }
0x24f: {  	v14 =	vadd.f32 v15, v14  }
0x250: {  	v13 =	vadd.f32 v17, v13  }
0x251: {  	(xrf2) =	vadd.scan.msk.f32 $0xffff, v14  }
0x252: {  	(xrf2) =	vadd.scan.msk.f32 $0xffff, v13;
	_ =	sdelay $0x8  }
0x253: {  	v13, _, _ =	vpop (xrf2)  }
0x254: {  	v14, _, _ =	vpop (xrf2)  }
0x255: {  	v14 =	vbroadcast v14, $0xF;
	_ =	sdelay $0x1  }
0x256: {  	(erf) = vrcp.f32 v14;
	_ =	sdelay $0x6  }
0x257: {  	v14 =	vor.u32 $0x1, v12  }
0x258: {  	v13 =	vbroadcast v13, $0xF;
	v14 =	vbroadcast v14, $0x0  }
0x259: {  	s0 =	simm.s32 $0x7D0;
	v15 =	vpop (erf)  }
0x25a: {  	v13 =	vmul.f32 v15, v13;
	v15 =	vor.u32 s0, v0;
	_ =	sdelay $0x1  }
0x25b: {  	v13 =	vmax.f32 v13, $0.0e+00  }
0x25c: {  	v13 =	vmin.f32 v13, $1.000000000e+00  }
0x25d: {  	[tilespmem:v14+s24+$0x0] =	vst.idx.msk $0x1, v13  }
0x25e: {  	v13 =	vld.idx.msk [tilespmem:v15+s18+$0x0], $0xffff  }
0x25f: {  	s6 =	simm.s32 $0x7E0  }
0x260: {  	v14 =	vor.u32 s6, v0  }
0x261: {  	v15 =	vld.idx.msk [tilespmem:v15+s19+$0x0], $0xffff;
	_ =	sdelay $0x1  }
0x262: {  	v13 =	vmul.f32 $1.442695020e+00, v13  }
0x263: {  	s7 =	simm.s32 $0x7F0  }
0x264: {  	v16 =	vor.u32 s7, v0;
	(erf) = vpow2.f32 v13;
	v13 =	vld.idx.msk [tilespmem:v14+s18+$0x0], $0xffff  }
0x265: {  	v18 =	vld.idx.msk [tilespmem:v14+s19+$0x0], $0xffff;
	v15 =	vadd.s32 $0x7D0, v15;
	_ =	sdelay $0x2  }
0x266: {  	s8 =	simm.s32 $0x800  }
0x267: {  	v17 =	vor.u32 s8, v0;
	v21 =	vld.idx.msk [tilespmem:v16+s18+$0x0], $0xffff;
	v20 =	vmul.f32 $1.442695020e+00, v13  }
0x268: {  	v18 =	vadd.s32 $0x7D0, v18;
	v14 =	vld.idx.msk [tilespmem:v15+s20+$0x0], $0xffff  }
0x269: {  	v19 =	vld.idx.msk [tilespmem:v16+s19+$0x0], $0xffff;
	(erf) = vpow2.f32 v20;
	_ =	sdelay $0x2  }
0x26a: {  	s0 =	simm.s32 $0x810;
	v15 =	vimm.f32 $0.0e+00;
	v13 =	vimm.f32 $0.0e+00;
	v20 =	vld.idx.msk [tilespmem:v17+s18+$0x0], $0xffff;
	v16 =	vpop (erf)  }
.LBB2_23:
0x26b: {  	v22 =	vor.u32 s0, v0;
	v21 =	vmul.f32 $1.442695020e+00, v21;
	v23 =	vmul.f32 v14, v16;
	v14 =	vld.idx.msk [tilespmem:v18+s20+$0x0], $0xffff;
	p1 =	sne.s32 s0, $0xBA0  }
.Ltmp12:
0x26c: {  	s0 =	sadd.s32 $0x10, s0;
	v18 =	vadd.s32 $0x7D0, v19;
	v13 =	vadd.f32 v16, v13;
	v19 =	vld.idx.msk [tilespmem:v17+s19+$0x0], $0xffff;
	v17 =	vmov v22;
	(pc) =	sbr.rel @p1 .LBB2_23-.Ltmp12, $2  }
0x26d: {  	(erf) = vpow2.f32 v21;
	v15 =	vadd.f32 v23, v15;
	_ =	sdelay $0x2  }
0x26e: {  	v21 =	vmov v20;
	v16 =	vpop (erf);
	v20 =	vld.idx.msk [tilespmem:v22+s18+$0x0], $0xffff  }
0x26f: {  	_ =	sdelay $0x3  }
0x270: {  	v22 =	vld.idx.msk [tilespmem:v5+s18+$0x0], $0xffff  }
0x271: {  	v17 =	vld.idx.msk [tilespmem:v17+s19+$0x0], $0xffff  }
0x272: {  	v21 =	vmul.f32 $1.442695020e+00, v21;
	v23 =	vld.idx.msk [tilespmem:v5+s19+$0x0], $0xffff;
	_ =	sdelay $0x1  }
0x273: {  	v19 =	vadd.s32 $0x7D0, v19;
	(erf) = vpow2.f32 v21;
	v20 =	vmul.f32 $1.442695020e+00, v20  }
0x274: {  	v21 =	vmul.f32 $1.442695020e+00, v22  }
0x275: {  	v17 =	vadd.s32 $0x7D0, v17;
	(erf) = vpow2.f32 v20  }
0x276: {  	v18 =	vld.idx.msk [tilespmem:v18+s20+$0x0], $0xffff;
	v20 =	vnsel vm0, $0x0, v23;
	(erf) = vpow2.f32 v21  }
0x277: {  	v20 =	vadd.s32 $0x7D0, v20  }
0x278: {  	v19 =	vld.idx.msk [tilespmem:v19+s20+$0x0], $0xffff  }
0x279: {  	v14 =	vmul.f32 v14, v16  }
0x27a: {  	v21 =	vpop (erf);
	v17 =	vld.idx.msk [tilespmem:v17+s20+$0x0], $0xffff  }
0x27b: {  	v14 =	vadd.f32 v14, v15;
	v15 =	vmul.f32 v18, v21  }
0x27c: {  	v13 =	vadd.f32 v16, v13;
	v18 =	vpop (erf);
	v16 =	vld.idx.msk [tilespmem:v20+s20+$0x0], $0xffff  }
0x27d: {  	v14 =	vadd.f32 v15, v14;
	v15 =	vmul.f32 v19, v18  }
0x27e: {  	v13 =	vadd.f32 v21, v13;
	v19 =	vpop (erf)  }
0x27f: {  	v14 =	vadd.f32 v15, v14;
	v15 =	vmul.f32 v17, v19;
	v17 =	vpop (erf)  }
0x280: {  	v13 =	vadd.f32 v18, v13;
	v17 =	vnsel vm0, $0x0, v17  }
0x281: {  	v14 =	vadd.f32 v15, v14;
	v15 =	vmul.f32 v17, v16  }
0x282: {  	v13 =	vadd.f32 v19, v13  }
0x283: {  	v14 =	vadd.f32 v15, v14  }
0x284: {  	v13 =	vadd.f32 v17, v13  }
0x285: {  	(xrf2) =	vadd.scan.msk.f32 $0xffff, v14  }
0x286: {  	(xrf2) =	vadd.scan.msk.f32 $0xffff, v13;
	_ =	sdelay $0x8  }
0x287: {  	v13, _, _ =	vpop (xrf2)  }
0x288: {  	v14, _, _ =	vpop (xrf2)  }
0x289: {  	v14 =	vbroadcast v14, $0xF;
	_ =	sdelay $0x1  }
0x28a: {  	(erf) = vrcp.f32 v14;
	_ =	sdelay $0x6  }
0x28b: {  	s0 =	simm.s32 $0xBB8;
	v14 =	vor.u32 $0x2, v12  }
0x28c: {  	v15 =	vadd.s32 s0, v0;
	v13 =	vbroadcast v13, $0xF;
	v14 =	vbroadcast v14, $0x0  }
0x28d: {  	v15 =	vand.u32 $0x1FF8, v15;
	v16 =	vpop (erf)  }
0x28e: {  	v15 =	vor.u32 v3, v15;
	v13 =	vmul.f32 v16, v13  }
0x28f: {  	s6 =	simm.s32 $0xBC8  }
0x290: {  	v16 =	vadd.s32 s6, v0;
	v13 =	vmax.f32 v13, $0.0e+00  }
0x291: {  	v16 =	vand.u32 $0x1FF8, v16;
	v13 =	vmin.f32 v13, $1.000000000e+00  }
0x292: {  	[tilespmem:v14+s24+$0x0] =	vst.idx.msk $0x1, v13;
	v13 =	vor.u32 v3, v16  }
0x293: {  	v14 =	vld.idx.msk [tilespmem:v15+s19+$0x0], $0xffff  }
0x294: {  	v15 =	vld.idx.msk [tilespmem:v15+s18+$0x0], $0xffff;
	_ =	sdelay $0x2  }
0x295: {  	s7 =	simm.s32 $0xBD8;
	v17 =	vld.idx.msk [tilespmem:v13+s18+$0x0], $0xffff  }
0x296: {  	v16 =	vadd.s32 s7, v0  }
0x297: {  	v16 =	vand.u32 $0x1FF8, v16;
	v15 =	vmul.f32 $1.442695020e+00, v15  }
0x298: {  	v18 =	vor.u32 v3, v16  }
0x299: {  	v20 =	vld.idx.msk [tilespmem:v13+s19+$0x0], $0xffff;
	v14 =	vadd.s32 $0xBB8, v14;
	(erf) = vpow2.f32 v15  }
0x29a: {  	s8 =	simm.s32 $0xBE8;
	v21 =	vmul.f32 $1.442695020e+00, v17  }
0x29b: {  	v13 =	vadd.s32 s8, v0  }
0x29c: {  	v19 =	vand.u32 $0x1FF8, v13;
	(erf) = vpow2.f32 v21  }
0x29d: {  	v16 =	vld.idx.msk [tilespmem:v18+s18+$0x0], $0xffff;
	v19 =	vor.u32 v3, v19  }
0x29e: {  	v17 =	vadd.s32 $0xBB8, v20;
	v14 =	vld.idx.msk [tilespmem:v14+s20+$0x0], $0xffff  }
0x29f: {  	s0 =	simm.s32 $0xBF8;
	v13 =	vimm.f32 $0.0e+00;
	v18 =	vld.idx.msk [tilespmem:v18+s19+$0x0], $0xffff;
	v15 =	vimm.f32 $0.0e+00;
	v20 =	vmov v19  }
.LBB2_25:
0x2a0: {  	p1 =	sne.s32 s0, $0xF88  }
.Ltmp13:
0x2a1: {  	v21 =	vadd.s32 s0, v0;
	(pc) =	sbr.rel @p1 .LBB2_25-.Ltmp13, $4  }
0x2a2: {  	s0 =	sadd.s32 $0x10, s0;
	v21 =	vand.u32 $0x1FF8, v21;
	v22 =	vpop (erf);
	v23 =	vmov v16;
	v16 =	vld.idx.msk [tilespmem:v19+s18+$0x0], $0xffff  }
0x2a3: {  	v19 =	vor.u32 v3, v21;
	v21 =	vmul.f32 $1.442695020e+00, v23;
	v23 =	vmul.f32 v14, v22;
	v14 =	vld.idx.msk [tilespmem:v17+s20+$0x0], $0xffff  }
0x2a4: {  	v13 =	vadd.f32 v22, v13;
	v17 =	vadd.s32 $0xBB8, v18;
	v18 =	vld.idx.msk [tilespmem:v20+s19+$0x0], $0xffff;
	v20 =	vmov v19  }
0x2a5: {  	(erf) = vpow2.f32 v21;
	v15 =	vadd.f32 v23, v15  }
0x2a6: {  	_ =	sdelay $0x3  }
0x2a7: {  	v19 =	vld.idx.msk [tilespmem:v19+s18+$0x0], $0xffff  }
0x2a8: {  	v21 =	vld.idx.msk [tilespmem:v6+s18+$0x0], $0xffff  }
0x2a9: {  	v20 =	vld.idx.msk [tilespmem:v20+s19+$0x0], $0xffff  }
0x2aa: {  	v22 =	vld.idx.msk [tilespmem:v6+s19+$0x0], $0xffff;
	v16 =	vmul.f32 $1.442695020e+00, v16;
	_ =	sdelay $0x1  }
0x2ab: {  	(erf) = vpow2.f32 v16;
	v16 =	vadd.s32 $0xBB8, v18;
	v18 =	vmul.f32 $1.442695020e+00, v19  }
0x2ac: {  	v19 =	vmul.f32 $1.442695020e+00, v21  }
0x2ad: {  	v20 =	vadd.s32 $0xBB8, v20;
	(erf) = vpow2.f32 v18  }
0x2ae: {  	v17 =	vld.idx.msk [tilespmem:v17+s20+$0x0], $0xffff;
	v18 =	vnsel vm0, $0x0, v22;
	(erf) = vpow2.f32 v19  }
0x2af: {  	v18 =	vadd.s32 $0xBB8, v18  }
0x2b0: {  	v16 =	vld.idx.msk [tilespmem:v16+s20+$0x0], $0xffff;
	v19 =	vpop (erf)  }
0x2b1: {  	v14 =	vmul.f32 v14, v19  }
0x2b2: {  	v21 =	vpop (erf);
	v20 =	vld.idx.msk [tilespmem:v20+s20+$0x0], $0xffff  }
0x2b3: {  	v14 =	vadd.f32 v14, v15;
	v15 =	vmul.f32 v17, v21  }
0x2b4: {  	v13 =	vadd.f32 v19, v13;
	v17 =	vpop (erf);
	v18 =	vld.idx.msk [tilespmem:v18+s20+$0x0], $0xffff  }
0x2b5: {  	v14 =	vadd.f32 v15, v14;
	v15 =	vmul.f32 v16, v17  }
0x2b6: {  	v13 =	vadd.f32 v21, v13;
	v16 =	vpop (erf)  }
0x2b7: {  	v14 =	vadd.f32 v15, v14;
	v15 =	vmul.f32 v20, v16;
	v19 =	vpop (erf)  }
0x2b8: {  	v13 =	vadd.f32 v17, v13;
	v17 =	vnsel vm0, $0x0, v19  }
0x2b9: {  	v14 =	vadd.f32 v15, v14;
	v15 =	vmul.f32 v17, v18  }
0x2ba: {  	v13 =	vadd.f32 v16, v13  }
0x2bb: {  	v14 =	vadd.f32 v15, v14  }
0x2bc: {  	v13 =	vadd.f32 v17, v13  }
0x2bd: {  	(xrf2) =	vadd.scan.msk.f32 $0xffff, v14  }
0x2be: {  	(xrf2) =	vadd.scan.msk.f32 $0xffff, v13;
	_ =	sdelay $0x8  }
0x2bf: {  	v13, _, _ =	vpop (xrf2)  }
0x2c0: {  	v14, _, _ =	vpop (xrf2)  }
0x2c1: {  	v14 =	vbroadcast v14, $0xF;
	_ =	sdelay $0x1  }
0x2c2: {  	(erf) = vrcp.f32 v14;
	_ =	sdelay $0x6  }
0x2c3: {  	v14 =	vor.u32 $0x3, v12  }
0x2c4: {  	v13 =	vbroadcast v13, $0xF;
	v14 =	vbroadcast v14, $0x0  }
0x2c5: {  	s0 =	simm.s32 $0xFA0;
	v15 =	vpop (erf)  }
0x2c6: {  	v13 =	vmul.f32 v15, v13;
	v15 =	vor.u32 s0, v0;
	_ =	sdelay $0x1  }
0x2c7: {  	v13 =	vmax.f32 v13, $0.0e+00  }
0x2c8: {  	v13 =	vmin.f32 v13, $1.000000000e+00  }
0x2c9: {  	[tilespmem:v14+s24+$0x0] =	vst.idx.msk $0x1, v13  }
0x2ca: {  	v13 =	vld.idx.msk [tilespmem:v15+s18+$0x0], $0xffff  }
0x2cb: {  	s6 =	simm.s32 $0xFB0  }
0x2cc: {  	v14 =	vor.u32 s6, v0  }
0x2cd: {  	v15 =	vld.idx.msk [tilespmem:v15+s19+$0x0], $0xffff;
	_ =	sdelay $0x1  }
0x2ce: {  	v13 =	vmul.f32 $1.442695020e+00, v13  }
0x2cf: {  	s7 =	simm.s32 $0xFC0  }
0x2d0: {  	v16 =	vor.u32 s7, v0;
	(erf) = vpow2.f32 v13;
	v13 =	vld.idx.msk [tilespmem:v14+s18+$0x0], $0xffff  }
0x2d1: {  	v18 =	vld.idx.msk [tilespmem:v14+s19+$0x0], $0xffff;
	v15 =	vadd.s32 $0xFA0, v15;
	_ =	sdelay $0x2  }
0x2d2: {  	s8 =	simm.s32 $0xFD0  }
0x2d3: {  	v17 =	vor.u32 s8, v0;
	v21 =	vld.idx.msk [tilespmem:v16+s18+$0x0], $0xffff;
	v20 =	vmul.f32 $1.442695020e+00, v13  }
0x2d4: {  	v18 =	vadd.s32 $0xFA0, v18;
	v14 =	vld.idx.msk [tilespmem:v15+s20+$0x0], $0xffff  }
0x2d5: {  	v19 =	vld.idx.msk [tilespmem:v16+s19+$0x0], $0xffff;
	(erf) = vpow2.f32 v20;
	_ =	sdelay $0x2  }
0x2d6: {  	s0 =	simm.s32 $0xFE0;
	v15 =	vimm.f32 $0.0e+00;
	v13 =	vimm.f32 $0.0e+00;
	v20 =	vld.idx.msk [tilespmem:v17+s18+$0x0], $0xffff;
	v16 =	vpop (erf)  }
.LBB2_27:
0x2d7: {  	v22 =	vor.u32 s0, v0;
	v21 =	vmul.f32 $1.442695020e+00, v21;
	v23 =	vmul.f32 v14, v16;
	v14 =	vld.idx.msk [tilespmem:v18+s20+$0x0], $0xffff;
	p1 =	sne.s32 s0, $0x1370  }
.Ltmp14:
0x2d8: {  	s0 =	sadd.s32 $0x10, s0;
	v18 =	vadd.s32 $0xFA0, v19;
	v13 =	vadd.f32 v16, v13;
	v19 =	vld.idx.msk [tilespmem:v17+s19+$0x0], $0xffff;
	v17 =	vmov v22;
	(pc) =	sbr.rel @p1 .LBB2_27-.Ltmp14, $2  }
0x2d9: {  	(erf) = vpow2.f32 v21;
	v15 =	vadd.f32 v23, v15;
	_ =	sdelay $0x2  }
0x2da: {  	v21 =	vmov v20;
	v16 =	vpop (erf);
	v20 =	vld.idx.msk [tilespmem:v22+s18+$0x0], $0xffff  }
0x2db: {  	_ =	sdelay $0x3  }
0x2dc: {  	v22 =	vld.idx.msk [tilespmem:v7+s18+$0x0], $0xffff  }
0x2dd: {  	v17 =	vld.idx.msk [tilespmem:v17+s19+$0x0], $0xffff  }
0x2de: {  	v21 =	vmul.f32 $1.442695020e+00, v21;
	v23 =	vld.idx.msk [tilespmem:v7+s19+$0x0], $0xffff;
	_ =	sdelay $0x1  }
0x2df: {  	v19 =	vadd.s32 $0xFA0, v19;
	(erf) = vpow2.f32 v21;
	v20 =	vmul.f32 $1.442695020e+00, v20  }
0x2e0: {  	v21 =	vmul.f32 $1.442695020e+00, v22  }
0x2e1: {  	v17 =	vadd.s32 $0xFA0, v17;
	(erf) = vpow2.f32 v20  }
0x2e2: {  	v18 =	vld.idx.msk [tilespmem:v18+s20+$0x0], $0xffff;
	v20 =	vnsel vm0, $0x0, v23;
	(erf) = vpow2.f32 v21  }
0x2e3: {  	v20 =	vadd.s32 $0xFA0, v20  }
0x2e4: {  	v19 =	vld.idx.msk [tilespmem:v19+s20+$0x0], $0xffff  }
0x2e5: {  	v14 =	vmul.f32 v14, v16  }
0x2e6: {  	v21 =	vpop (erf);
	v17 =	vld.idx.msk [tilespmem:v17+s20+$0x0], $0xffff  }
0x2e7: {  	v14 =	vadd.f32 v14, v15;
	v15 =	vmul.f32 v18, v21  }
0x2e8: {  	v13 =	vadd.f32 v16, v13;
	v18 =	vpop (erf);
	v16 =	vld.idx.msk [tilespmem:v20+s20+$0x0], $0xffff  }
0x2e9: {  	v14 =	vadd.f32 v15, v14;
	v15 =	vmul.f32 v19, v18  }
0x2ea: {  	v13 =	vadd.f32 v21, v13;
	v19 =	vpop (erf)  }
0x2eb: {  	v14 =	vadd.f32 v15, v14;
	v15 =	vmul.f32 v17, v19;
	v17 =	vpop (erf)  }
0x2ec: {  	v13 =	vadd.f32 v18, v13;
	v17 =	vnsel vm0, $0x0, v17  }
0x2ed: {  	v14 =	vadd.f32 v15, v14;
	v15 =	vmul.f32 v17, v16  }
0x2ee: {  	v13 =	vadd.f32 v19, v13  }
0x2ef: {  	v14 =	vadd.f32 v15, v14  }
0x2f0: {  	v13 =	vadd.f32 v17, v13  }
0x2f1: {  	(xrf2) =	vadd.scan.msk.f32 $0xffff, v14  }
0x2f2: {  	(xrf2) =	vadd.scan.msk.f32 $0xffff, v13;
	_ =	sdelay $0x8  }
0x2f3: {  	v13, _, _ =	vpop (xrf2)  }
0x2f4: {  	v14, _, _ =	vpop (xrf2)  }
0x2f5: {  	v14 =	vbroadcast v14, $0xF;
	_ =	sdelay $0x1  }
0x2f6: {  	(erf) = vrcp.f32 v14;
	_ =	sdelay $0x6  }
0x2f7: {  	s0 =	simm.s32 $0x1388;
	v14 =	vor.u32 $0x4, v12  }
0x2f8: {  	v15 =	vadd.s32 s0, v0;
	v13 =	vbroadcast v13, $0xF;
	v14 =	vbroadcast v14, $0x0  }
0x2f9: {  	v15 =	vand.u32 $0x1FF8, v15;
	v16 =	vpop (erf)  }
0x2fa: {  	v15 =	vor.u32 v3, v15;
	v13 =	vmul.f32 v16, v13  }
0x2fb: {  	s6 =	simm.s32 $0x1398  }
0x2fc: {  	v16 =	vadd.s32 s6, v0;
	v13 =	vmax.f32 v13, $0.0e+00  }
0x2fd: {  	v16 =	vand.u32 $0x1FF8, v16;
	v13 =	vmin.f32 v13, $1.000000000e+00  }
0x2fe: {  	[tilespmem:v14+s24+$0x0] =	vst.idx.msk $0x1, v13;
	v13 =	vor.u32 v3, v16  }
0x2ff: {  	v14 =	vld.idx.msk [tilespmem:v15+s19+$0x0], $0xffff  }
0x300: {  	v15 =	vld.idx.msk [tilespmem:v15+s18+$0x0], $0xffff;
	_ =	sdelay $0x2  }
0x301: {  	s7 =	simm.s32 $0x13A8;
	v17 =	vld.idx.msk [tilespmem:v13+s18+$0x0], $0xffff  }
0x302: {  	v16 =	vadd.s32 s7, v0  }
0x303: {  	v16 =	vand.u32 $0x1FF8, v16;
	v15 =	vmul.f32 $1.442695020e+00, v15  }
0x304: {  	v18 =	vor.u32 v3, v16  }
0x305: {  	v20 =	vld.idx.msk [tilespmem:v13+s19+$0x0], $0xffff;
	v14 =	vadd.s32 $0x1388, v14;
	(erf) = vpow2.f32 v15  }
0x306: {  	s8 =	simm.s32 $0x13B8;
	v21 =	vmul.f32 $1.442695020e+00, v17  }
0x307: {  	v13 =	vadd.s32 s8, v0  }
0x308: {  	v19 =	vand.u32 $0x1FF8, v13;
	(erf) = vpow2.f32 v21  }
0x309: {  	v16 =	vld.idx.msk [tilespmem:v18+s18+$0x0], $0xffff;
	v19 =	vor.u32 v3, v19  }
0x30a: {  	v17 =	vadd.s32 $0x1388, v20;
	v14 =	vld.idx.msk [tilespmem:v14+s20+$0x0], $0xffff  }
0x30b: {  	s0 =	simm.s32 $0x13C8;
	v13 =	vimm.f32 $0.0e+00;
	v18 =	vld.idx.msk [tilespmem:v18+s19+$0x0], $0xffff;
	v15 =	vimm.f32 $0.0e+00;
	v20 =	vmov v19  }
.LBB2_29:
0x30c: {  	p1 =	sne.s32 s0, $0x1758  }
.Ltmp15:
0x30d: {  	v21 =	vadd.s32 s0, v0;
	(pc) =	sbr.rel @p1 .LBB2_29-.Ltmp15, $4  }
0x30e: {  	s0 =	sadd.s32 $0x10, s0;
	v21 =	vand.u32 $0x1FF8, v21;
	v22 =	vpop (erf);
	v23 =	vmov v16;
	v16 =	vld.idx.msk [tilespmem:v19+s18+$0x0], $0xffff  }
0x30f: {  	v19 =	vor.u32 v3, v21;
	v21 =	vmul.f32 $1.442695020e+00, v23;
	v23 =	vmul.f32 v14, v22;
	v14 =	vld.idx.msk [tilespmem:v17+s20+$0x0], $0xffff  }
0x310: {  	v13 =	vadd.f32 v22, v13;
	v17 =	vadd.s32 $0x1388, v18;
	v18 =	vld.idx.msk [tilespmem:v20+s19+$0x0], $0xffff;
	v20 =	vmov v19  }
0x311: {  	(erf) = vpow2.f32 v21;
	v15 =	vadd.f32 v23, v15  }
0x312: {  	_ =	sdelay $0x3  }
0x313: {  	v19 =	vld.idx.msk [tilespmem:v19+s18+$0x0], $0xffff  }
0x314: {  	v21 =	vld.idx.msk [tilespmem:v8+s18+$0x0], $0xffff  }
0x315: {  	v20 =	vld.idx.msk [tilespmem:v20+s19+$0x0], $0xffff  }
0x316: {  	v22 =	vld.idx.msk [tilespmem:v8+s19+$0x0], $0xffff;
	v16 =	vmul.f32 $1.442695020e+00, v16;
	_ =	sdelay $0x1  }
0x317: {  	(erf) = vpow2.f32 v16;
	v16 =	vadd.s32 $0x1388, v18;
	v18 =	vmul.f32 $1.442695020e+00, v19  }
0x318: {  	v19 =	vmul.f32 $1.442695020e+00, v21  }
0x319: {  	v20 =	vadd.s32 $0x1388, v20;
	(erf) = vpow2.f32 v18  }
0x31a: {  	v17 =	vld.idx.msk [tilespmem:v17+s20+$0x0], $0xffff;
	v18 =	vnsel vm0, $0x0, v22;
	(erf) = vpow2.f32 v19  }
0x31b: {  	v18 =	vadd.s32 $0x1388, v18  }
0x31c: {  	v16 =	vld.idx.msk [tilespmem:v16+s20+$0x0], $0xffff;
	v19 =	vpop (erf)  }
0x31d: {  	v14 =	vmul.f32 v14, v19  }
0x31e: {  	v21 =	vpop (erf);
	v20 =	vld.idx.msk [tilespmem:v20+s20+$0x0], $0xffff  }
0x31f: {  	v14 =	vadd.f32 v14, v15;
	v15 =	vmul.f32 v17, v21  }
0x320: {  	v13 =	vadd.f32 v19, v13;
	v17 =	vpop (erf);
	v18 =	vld.idx.msk [tilespmem:v18+s20+$0x0], $0xffff  }
0x321: {  	v14 =	vadd.f32 v15, v14;
	v15 =	vmul.f32 v16, v17  }
0x322: {  	v13 =	vadd.f32 v21, v13;
	v16 =	vpop (erf)  }
0x323: {  	v14 =	vadd.f32 v15, v14;
	v15 =	vmul.f32 v20, v16;
	v19 =	vpop (erf)  }
0x324: {  	v13 =	vadd.f32 v17, v13;
	v17 =	vnsel vm0, $0x0, v19  }
0x325: {  	v14 =	vadd.f32 v15, v14;
	v15 =	vmul.f32 v17, v18  }
0x326: {  	v13 =	vadd.f32 v16, v13  }
0x327: {  	v14 =	vadd.f32 v15, v14  }
0x328: {  	v13 =	vadd.f32 v17, v13  }
0x329: {  	(xrf2) =	vadd.scan.msk.f32 $0xffff, v14  }
0x32a: {  	(xrf2) =	vadd.scan.msk.f32 $0xffff, v13;
	_ =	sdelay $0x8  }
0x32b: {  	v13, _, _ =	vpop (xrf2)  }
0x32c: {  	v14, _, _ =	vpop (xrf2)  }
0x32d: {  	v14 =	vbroadcast v14, $0xF;
	_ =	sdelay $0x1  }
0x32e: {  	(erf) = vrcp.f32 v14;
	_ =	sdelay $0x6  }
0x32f: {  	v14 =	vor.u32 $0x5, v12  }
0x330: {  	v13 =	vbroadcast v13, $0xF;
	v14 =	vbroadcast v14, $0x0  }
0x331: {  	s0 =	simm.s32 $0x1770;
	v15 =	vpop (erf)  }
0x332: {  	v13 =	vmul.f32 v15, v13;
	v15 =	vor.u32 s0, v0;
	_ =	sdelay $0x1  }
0x333: {  	v13 =	vmax.f32 v13, $0.0e+00  }
0x334: {  	v13 =	vmin.f32 v13, $1.000000000e+00  }
0x335: {  	[tilespmem:v14+s24+$0x0] =	vst.idx.msk $0x1, v13  }
0x336: {  	v13 =	vld.idx.msk [tilespmem:v15+s18+$0x0], $0xffff  }
0x337: {  	s6 =	simm.s32 $0x1780  }
0x338: {  	v14 =	vor.u32 s6, v0  }
0x339: {  	v15 =	vld.idx.msk [tilespmem:v15+s19+$0x0], $0xffff;
	_ =	sdelay $0x1  }
0x33a: {  	v13 =	vmul.f32 $1.442695020e+00, v13  }
0x33b: {  	s7 =	simm.s32 $0x1790  }
0x33c: {  	v16 =	vor.u32 s7, v0;
	(erf) = vpow2.f32 v13;
	v13 =	vld.idx.msk [tilespmem:v14+s18+$0x0], $0xffff  }
0x33d: {  	v18 =	vld.idx.msk [tilespmem:v14+s19+$0x0], $0xffff;
	v15 =	vadd.s32 $0x1770, v15;
	_ =	sdelay $0x2  }
0x33e: {  	s8 =	simm.s32 $0x17A0  }
0x33f: {  	v17 =	vor.u32 s8, v0;
	v21 =	vld.idx.msk [tilespmem:v16+s18+$0x0], $0xffff;
	v20 =	vmul.f32 $1.442695020e+00, v13  }
0x340: {  	v18 =	vadd.s32 $0x1770, v18;
	v14 =	vld.idx.msk [tilespmem:v15+s20+$0x0], $0xffff  }
0x341: {  	v19 =	vld.idx.msk [tilespmem:v16+s19+$0x0], $0xffff;
	(erf) = vpow2.f32 v20;
	_ =	sdelay $0x2  }
0x342: {  	s0 =	simm.s32 $0x17B0;
	v15 =	vimm.f32 $0.0e+00;
	v13 =	vimm.f32 $0.0e+00;
	v20 =	vld.idx.msk [tilespmem:v17+s18+$0x0], $0xffff;
	v16 =	vpop (erf)  }
.LBB2_31:
0x343: {  	v22 =	vor.u32 s0, v0;
	v21 =	vmul.f32 $1.442695020e+00, v21;
	v23 =	vmul.f32 v14, v16;
	v14 =	vld.idx.msk [tilespmem:v18+s20+$0x0], $0xffff;
	p1 =	sne.s32 s0, $0x1B40  }
.Ltmp16:
0x344: {  	s0 =	sadd.s32 $0x10, s0;
	v18 =	vadd.s32 $0x1770, v19;
	v13 =	vadd.f32 v16, v13;
	v19 =	vld.idx.msk [tilespmem:v17+s19+$0x0], $0xffff;
	v17 =	vmov v22;
	(pc) =	sbr.rel @p1 .LBB2_31-.Ltmp16, $2  }
0x345: {  	(erf) = vpow2.f32 v21;
	v15 =	vadd.f32 v23, v15;
	_ =	sdelay $0x2  }
0x346: {  	v21 =	vmov v20;
	v16 =	vpop (erf);
	v20 =	vld.idx.msk [tilespmem:v22+s18+$0x0], $0xffff  }
0x347: {  	_ =	sdelay $0x3  }
0x348: {  	v22 =	vld.idx.msk [tilespmem:v9+s18+$0x0], $0xffff  }
0x349: {  	v17 =	vld.idx.msk [tilespmem:v17+s19+$0x0], $0xffff  }
0x34a: {  	v21 =	vmul.f32 $1.442695020e+00, v21;
	v23 =	vld.idx.msk [tilespmem:v9+s19+$0x0], $0xffff;
	_ =	sdelay $0x1  }
0x34b: {  	v19 =	vadd.s32 $0x1770, v19;
	(erf) = vpow2.f32 v21;
	v20 =	vmul.f32 $1.442695020e+00, v20  }
0x34c: {  	v62 =	vmul.f32 $1.442695020e+00, v22  }
0x34d: {  	v17 =	vadd.s32 $0x1770, v17;
	(erf) = vpow2.f32 v20  }
0x34e: {  	v18 =	vld.idx.msk [tilespmem:v18+s20+$0x0], $0xffff;
	v20 =	vnsel vm0, $0x0, v23;
	(erf) = vpow2.f32 v62  }
0x34f: {  	v20 =	vadd.s32 $0x1770, v20  }
0x350: {  	v19 =	vld.idx.msk [tilespmem:v19+s20+$0x0], $0xffff  }
0x351: {  	v14 =	vmul.f32 v14, v16  }
0x352: {  	v63 =	vpop (erf);
	v17 =	vld.idx.msk [tilespmem:v17+s20+$0x0], $0xffff  }
0x353: {  	v14 =	vadd.f32 v14, v15;
	v15 =	vmul.f32 v18, v63  }
0x354: {  	v13 =	vadd.f32 v16, v13;
	v18 =	vpop (erf);
	v16 =	vld.idx.msk [tilespmem:v20+s20+$0x0], $0xffff  }
0x355: {  	v14 =	vadd.f32 v15, v14;
	v15 =	vmul.f32 v19, v18  }
0x356: {  	v13 =	vadd.f32 v63, v13;
	v19 =	vpop (erf)  }
0x357: {  	v14 =	vadd.f32 v15, v14;
	v15 =	vmul.f32 v17, v19;
	v17 =	vpop (erf)  }
0x358: {  	v13 =	vadd.f32 v18, v13;
	v17 =	vnsel vm0, $0x0, v17  }
0x359: {  	v14 =	vadd.f32 v15, v14;
	v15 =	vmul.f32 v17, v16  }
0x35a: {  	v13 =	vadd.f32 v19, v13  }
0x35b: {  	v14 =	vadd.f32 v15, v14  }
0x35c: {  	v13 =	vadd.f32 v17, v13  }
0x35d: {  	(xrf2) =	vadd.scan.msk.f32 $0xffff, v14  }
0x35e: {  	(xrf2) =	vadd.scan.msk.f32 $0xffff, v13;
	_ =	sdelay $0x8  }
0x35f: {  	v13, _, _ =	vpop (xrf2)  }
0x360: {  	v14, _, _ =	vpop (xrf2)  }
0x361: {  	v14 =	vbroadcast v14, $0xF;
	_ =	sdelay $0x1  }
0x362: {  	(erf) = vrcp.f32 v14;
	_ =	sdelay $0x6  }
0x363: {  	v12 =	vor.u32 $0x6, v12;
	s0 =	simm.s32 $0x1B58  }
0x364: {  	v12 =	vbroadcast v12, $0x0;
	v13 =	vbroadcast v13, $0xF;
	v14 =	vadd.s32 s0, v0  }
0x365: {  	v14 =	vand.u32 $0x3FF8, v14;
	v15 =	vpop (erf)  }
0x366: {  	v14 =	vor.u32 v3, v14;
	v13 =	vmul.f32 v15, v13  }
0x367: {  	s6 =	simm.s32 $0x1B68  }
0x368: {  	v15 =	vadd.s32 s6, v0;
	v13 =	vmax.f32 v13, $0.0e+00  }
0x369: {  	v15 =	vand.u32 $0x3FF8, v15;
	v13 =	vmin.f32 v13, $1.000000000e+00  }
0x36a: {  	[tilespmem:v12+s24+$0x0] =	vst.idx.msk $0x1, v13;
	v12 =	vor.u32 v3, v15  }
0x36b: {  	v13 =	vld.idx.msk [tilespmem:v14+s19+$0x0], $0xffff  }
0x36c: {  	v14 =	vld.idx.msk [tilespmem:v14+s18+$0x0], $0xffff;
	_ =	sdelay $0x2  }
0x36d: {  	s7 =	simm.s32 $0x1B78;
	v16 =	vld.idx.msk [tilespmem:v12+s18+$0x0], $0xffff  }
0x36e: {  	v15 =	vadd.s32 s7, v0  }
0x36f: {  	v15 =	vand.u32 $0x3FF8, v15;
	v14 =	vmul.f32 $1.442695020e+00, v14  }
0x370: {  	v17 =	vor.u32 v3, v15  }
0x371: {  	v19 =	vld.idx.msk [tilespmem:v12+s19+$0x0], $0xffff;
	v13 =	vadd.s32 $0x1B58, v13;
	(erf) = vpow2.f32 v14  }
0x372: {  	s8 =	simm.s32 $0x1B88;
	v20 =	vmul.f32 $1.442695020e+00, v16  }
0x373: {  	v12 =	vadd.s32 s8, v0  }
0x374: {  	v18 =	vand.u32 $0x3FF8, v12;
	(erf) = vpow2.f32 v20  }
0x375: {  	v15 =	vld.idx.msk [tilespmem:v17+s18+$0x0], $0xffff;
	v18 =	vor.u32 v3, v18  }
0x376: {  	v16 =	vadd.s32 $0x1B58, v19;
	v13 =	vld.idx.msk [tilespmem:v13+s20+$0x0], $0xffff  }
0x377: {  	s0 =	simm.s32 $0x1B98;
	v12 =	vimm.f32 $0.0e+00;
	v17 =	vld.idx.msk [tilespmem:v17+s19+$0x0], $0xffff;
	v14 =	vimm.f32 $0.0e+00;
	v19 =	vmov v18  }
.LBB2_33:
0x378: {  	p1 =	sne.s32 s0, $0x1F28  }
.Ltmp17:
0x379: {  	v20 =	vadd.s32 s0, v0;
	(pc) =	sbr.rel @p1 .LBB2_33-.Ltmp17, $4  }
0x37a: {  	s0 =	sadd.s32 $0x10, s0;
	v20 =	vand.u32 $0x3FF8, v20;
	v21 =	vpop (erf);
	v22 =	vmov v15;
	v15 =	vld.idx.msk [tilespmem:v18+s18+$0x0], $0xffff  }
0x37b: {  	v18 =	vor.u32 v3, v20;
	v20 =	vmul.f32 $1.442695020e+00, v22;
	v22 =	vmul.f32 v13, v21;
	v13 =	vld.idx.msk [tilespmem:v16+s20+$0x0], $0xffff  }
0x37c: {  	v12 =	vadd.f32 v21, v12;
	v16 =	vadd.s32 $0x1B58, v17;
	v17 =	vld.idx.msk [tilespmem:v19+s19+$0x0], $0xffff;
	v19 =	vmov v18  }
0x37d: {  	(erf) = vpow2.f32 v20;
	v14 =	vadd.f32 v22, v14  }
0x37e: {  	_ =	sdelay $0x3  }
0x37f: {  	v18 =	vld.idx.msk [tilespmem:v18+s18+$0x0], $0xffff  }
0x380: {  	v20 =	vld.idx.msk [tilespmem:v10+s18+$0x0], $0xffff  }
0x381: {  	v19 =	vld.idx.msk [tilespmem:v19+s19+$0x0], $0xffff  }
0x382: {  	v10 =	vld.idx.msk [tilespmem:v10+s19+$0x0], $0xffff;
	v15 =	vmul.f32 $1.442695020e+00, v15;
	_ =	sdelay $0x1  }
0x383: {  	v17 =	vadd.s32 $0x1B58, v17;
	(erf) = vpow2.f32 v15;
	v52 =	vmul.f32 $1.442695020e+00, v18  }
0x384: {  	v53 =	vmul.f32 $1.442695020e+00, v20  }
0x385: {  	v19 =	vadd.s32 $0x1B58, v19;
	(erf) = vpow2.f32 v52  }
0x386: {  	v54 =	vld.idx.msk [tilespmem:v16+s20+$0x0], $0xffff;
	v10 =	vnsel vm0, $0x0, v10;
	(erf) = vpow2.f32 v53  }
0x387: {  	v10 =	vadd.s32 $0x1B58, v10  }
0x388: {  	v55 =	vpop (erf);
	v17 =	vld.idx.msk [tilespmem:v17+s20+$0x0], $0xffff  }
0x389: {  	v13 =	vmul.f32 v13, v55  }
0x38a: {  	v56 =	vpop (erf);
	v19 =	vld.idx.msk [tilespmem:v19+s20+$0x0], $0xffff  }
0x38b: {  	v13 =	vadd.f32 v13, v14;
	v57 =	vmul.f32 v54, v56  }
0x38c: {  	v12 =	vadd.f32 v55, v12;
	v10 =	vld.idx.msk [tilespmem:v10+s20+$0x0], $0xffff;
	v58 =	vpop (erf)  }
0x38d: {  	v13 =	vadd.f32 v57, v13;
	v59 =	vmul.f32 v17, v58  }
0x38e: {  	v12 =	vadd.f32 v56, v12;
	v60 =	vpop (erf)  }
0x38f: {  	v13 =	vadd.f32 v59, v13;
	v61 =	vmul.f32 v19, v60;
	v62 =	vpop (erf)  }
0x390: {  	v12 =	vadd.f32 v58, v12;
	v63 =	vnsel vm0, $0x0, v62  }
0x391: {  	v13 =	vadd.f32 v61, v13;
	v10 =	vmul.f32 v63, v10  }
0x392: {  	v12 =	vadd.f32 v60, v12  }
0x393: {  	v10 =	vadd.f32 v10, v13  }
0x394: {  	v12 =	vadd.f32 v63, v12  }
0x395: {  	(xrf2) =	vadd.scan.msk.f32 $0xffff, v10  }
0x396: {  	(xrf2) =	vadd.scan.msk.f32 $0xffff, v12;
	_ =	sdelay $0x8  }
0x397: {  	v10, _, _ =	vpop (xrf2)  }
0x398: {  	v12, _, _ =	vpop (xrf2)  }
0x399: {  	v12 =	vbroadcast v12, $0xF;
	_ =	sdelay $0x1  }
0x39a: {  	(erf) = vrcp.f32 v12;
	_ =	sdelay $0x6  }
0x39b: {  	v11 =	vor.u32 $0x7, v11  }
0x39c: {  	v11 =	vbroadcast v11, $0x0;
	v10 =	vbroadcast v10, $0xF  }
0x39d: {  	v12 =	vpop (erf)  }
.Ltmp18:
0x39e: {  	v10 =	vmul.f32 v12, v10;
	(pc) =	sbr.rel @p0 .LBB2_36-.Ltmp18, $4  }
0x39f: {  	_ = 	snop  }
0x3a0: {  	v10 =	vmax.f32 v10, $0.0e+00  }
0x3a1: {  	v10 =	vmin.f32 v10, $1.000000000e+00  }
0x3a2: {  	[tilespmem:v11+s24+$0x0] =	vst.idx.msk $0x1, v10  }
0x3a3: {  	s0 =	smul.u32 $0x3E80, s31;
	_ =	sdelay $0x1  }
0x3a4: {  	s0 =	sadd.s32 s0, s13  }
0x3a5: {  	s0 =	sshrl.u32 s0, $0x3  }
0x3a6: {  	s1 =	sadd.s32 s3, s0  }
0x3a7: {  	[tilespmem:s18], [sflag:$0x2] =	stream.linear.gather [hbm4b:s1+s2], $0x1F40, $0x38;
	[tilespmem:$0xBDE0] =	vst v63  }
.Ltmp19:
0x3a8: {  	_ = 	snop;
	(pc) =	sbr.rel .LBB2_2-.Ltmp19, $4  }
0x3a9: {  	s8 =	sadd.s32 s4, s0  }
0x3aa: {  	[tilespmem:s19], [sflag:$0x4] =	stream.linear.gather [hbm4b:s8+s2], $0x1F40, $0x38;
	[tilespmem:$0xBDE0] =	vst v63  }
0x3ab: {  	s31 =	sadd.s32 $0x1, s31;
	s0 =	sadd.s32 s5, s0  }
0x3ac: {  	[tilespmem:s20], [sflag:$0x6] =	stream.linear.gather [hbm4b:s0+s2], $0x1F40, $0x38;
	[tilespmem:$0xBDE0] =	vst v63  }
.LBB2_37:
0x3ad: {  	_ =	sfence.sel $0x180000  }
0x3ae: {  	[bflag:$0x0] =	sbarrier.arrive $0xFFFF  }
0x3af: {  	_ =	strace $0x90000047  }
0x3b0: {  	s0 =	stileid.u32;
	[bflag:$0x2] =	sbarrier.arrive $0xFFFF  }
0x3b1: {  	p0 =	sne.s32 s0, $0x0;
	s0 =	rddreg [dreg:$0x2]  }
0x3b2: {  	s0 =	sadd.s32 @!p0 $0x100000, s0  }
0x3b3: {  	[sflag:s0] =	ssyncadd.tile.s32 @!p0 $0x1;
	_ =	shalt  }
.Lfunc_end2:
_tile_overlayer_lowered:
.L_overlay_start_2:
0x3b4: {  	(tag) =	ssettag $0x2  }
0x3b5: {  	s0 =	rddreg [dreg:$0x0];
	s2 =	stileid.u32  }
0x3b6: {  	s1 =	rddreg [dreg:$0x1];
	p0 =	sne.s32 s2, $0x0  }
0x3b7: {  	s3 =	rddreg [dreg:$0x2];
	[bflag:$0x3] =	sbarrier.arrive $0xFFFF;
	s2 =	simm.s32 @!p0 $0x1C07  }
0x3b8: {  	[timem:s3], [sflag:s2] =	dma.local @!p0 [hbm:s0], s1  }
0x3b9: {  	s0 =	simm.s32 @!p0 $0x7  }
0x3ba: {  	_ =	swait.ge @!p0 [sflag:s0], s1  }
0x3bb: {  	s1 =	ssub.s32 @!p0 $0x0, s1;
	[sflag:s0] =	ssyncset.done @!p0 $0x0  }
0x3bc: {  	[sflag:s0] =	ssyncadd.s32 @!p0 s1  }
0x3bd: {  	[bflag:$0x3] =	sbarrier.arrive $0xFFFF  }
0x3be: {  	_ =	shalt  }

</sc_bundles>
